<compile_context>
chip_gen: v7x
topology: tpu7x:2x2x1
jax: 0.10.2.dev20260603
libtpu: 0.0.44.dev20260713+nightly
codegen_flags: <defaults>
</compile_context>

<pallas_src>
import functools

import jax
import jax.numpy as jnp
from jax import lax
from jax.experimental import pallas as pl
from jax.experimental.pallas import tpu as pltpu
from jax.experimental.pallas import tpu_sc as plsc


def _make_sc_gather(V, D, N, B, NC, NS, chunk):
    NW = NC * NS
    n_per_w = N // NW
    n_ch = n_per_w // chunk
    Bh = B // 2
    mesh = plsc.VectorSubcoreMesh(core_axis_name="c", subcore_axis_name="s")

    @functools.partial(
        pl.kernel,
        mesh=mesh,
        compiler_params=pltpu.CompilerParams(use_tc_tiling_on_sc=False),
        out_type=jax.ShapeDtypeStruct((N // 2, 2 * D), jnp.float32),
        scratch_types=[
            pltpu.VMEM((n_ch, chunk), jnp.int32),
            pltpu.VMEM((chunk, D), jnp.float32),
            pltpu.VMEM((chunk, D), jnp.float32),
            pltpu.SemaphoreType.DMA,
            pltpu.SemaphoreType.DMA,
        ],
    )
    def gather_k(table_hbm, idx_hbm, out_hbm, idx_v, buf0, buf1, sem0, sem1):
        wid = lax.axis_index("s") * NC + lax.axis_index("c")
        pltpu.sync_copy(idx_hbm.at[wid], idx_v)
        base = wid * n_per_w

        def start(j, buf, sem):
            pltpu.make_async_copy(table_hbm.at[idx_v.at[j]], buf, sem).start()

        def drain(j, buf, sem):
            pltpu.make_async_copy(table_hbm.at[idx_v.at[j]], buf, sem).wait()
            k0 = base + j * chunk
            b = lax.rem(k0, B)
            r = (k0 // B) * Bh + lax.rem(b, Bh)
            h = (b // Bh) * D
            pltpu.sync_copy(buf, out_hbm.at[pl.ds(r, chunk), pl.ds(h, D)])

        start(0, buf0, sem0)

        def body(p, _):
            j = 2 * p
            start(j + 1, buf1, sem1)
            drain(j, buf0, sem0)
            start(j + 2, buf0, sem0)
            drain(j + 1, buf1, sem1)
            return 0

        lax.fori_loop(0, (n_ch - 1) // 2, body, 0)
        if n_ch % 2 == 1:
            drain(n_ch - 1, buf0, sem0)
        else:
            start(n_ch - 1, buf1, sem1)
            drain(n_ch - 2, buf0, sem0)
            drain(n_ch - 1, buf1, sem1)

    return gather_k


def _x_proj(Hd, wih, x2):
    xe = x2[:, 0:Hd]
    xo = x2[:, Hd:2 * Hd]
    dn = (((1,), (1,)), ((), ()))
    ge = lax.dot_general(wih, xe, dn, preferred_element_type=jnp.float32)
    go = lax.dot_general(wih, xo, dn, preferred_element_type=jnp.float32)
    return jnp.concatenate([ge, go], axis=1)


def _lstm_body(Hd, T, has_alias, x0_ref, xn_ref, h0_ref, c0_ref, wih_ref,
               whh_ref, b_ref, *refs):
    if has_alias:
        refs = refs[1:]
    out_ref, hT_ref, cT_ref, h_s, c_s, gx_s = refs
    t = pl.program_id(0)
    wih = wih_ref[...]

    @pl.when(t == 0)
    def _():
        h_s[...] = h0_ref[...]
        c_s[...] = c0_ref[...]
        gx_s[...] = _x_proj(Hd, wih, x0_ref[0])

    h = h_s[...]
    gates = gx_s[...] + jnp.dot(whh_ref[...], h,
                                preferred_element_type=jnp.float32)
    gates = gates + b_ref[...]
    gx_s[...] = _x_proj(Hd, wih, xn_ref[0])
    i = jax.nn.sigmoid(gates[0 * Hd:1 * Hd, :])
    f = jax.nn.sigmoid(gates[1 * Hd:2 * Hd, :])
    g = jnp.tanh(gates[2 * Hd:3 * Hd, :])
    o = jax.nn.sigmoid(gates[3 * Hd:4 * Hd, :])
    c = f * c_s[...] + i * g
    h_new = o * jnp.tanh(c)
    h_s[...] = h_new
    c_s[...] = c
    out_ref[0] = h_new

    @pl.when(t == T - 1)
    def _():
        hT_ref[...] = h_new
        cT_ref[...] = c


def _lstm_call(x2, h0t, c0t, wih, whh, bias, t_total, t_off=0, out_alias=None,
               interpret=False):
    T, Bh, Hd2 = x2.shape
    Hd = Hd2 // 2
    B = Bh * 2
    out_shapes = (
        jax.ShapeDtypeStruct((t_total, Hd, B), jnp.float32),
        jax.ShapeDtypeStruct((Hd, B), jnp.float32),
        jax.ShapeDtypeStruct((Hd, B), jnp.float32),
    )
    in_specs = [
        pl.BlockSpec((1, Bh, Hd2), lambda t: (0, 0, 0)),
        pl.BlockSpec((1, Bh, Hd2),
                     lambda t: (jnp.minimum(t + 1, T - 1), 0, 0)),
        pl.BlockSpec((Hd, B), lambda t: (0, 0)),
        pl.BlockSpec((Hd, B), lambda t: (0, 0)),
        pl.BlockSpec((4 * Hd, Hd), lambda t: (0, 0)),
        pl.BlockSpec((4 * Hd, Hd), lambda t: (0, 0)),
        pl.BlockSpec((4 * Hd, 1), lambda t: (0, 0)),
    ]
    args = [x2, x2, h0t, c0t, wih, whh, bias]
    aliases = {}
    body = functools.partial(_lstm_body, Hd, T, out_alias is not None)
    if out_alias is not None:
        in_specs.append(pl.BlockSpec(memory_space=pl.ANY))
        args.append(out_alias)
        aliases = {7: 0}
    return pl.pallas_call(
        body,
        grid=(T,),
        in_specs=in_specs,
        out_specs=(
            pl.BlockSpec((1, Hd, B), lambda t: (t + t_off, 0, 0)),
            pl.BlockSpec((Hd, B), lambda t: (0, 0)),
            pl.BlockSpec((Hd, B), lambda t: (0, 0)),
        ),
        out_shape=out_shapes,
        scratch_shapes=[
            pltpu.VMEM((Hd, B), jnp.float32),
            pltpu.VMEM((Hd, B), jnp.float32),
            pltpu.VMEM((4 * Hd, B), jnp.float32),
        ],
        input_output_aliases=aliases,
        interpret=interpret,
    )(*args)


def kernel(input_src, h0, c0, embed, W_ih, W_hh, b_ih, b_hh):
    T, B = input_src.shape
    V, Hd = embed.shape
    Bh = B // 2

    info = plsc.get_sparse_core_info()
    NC, NS = info.num_cores, info.num_subcores
    NW = NC * NS

    parts = [16, 34]
    chunk = 64

    idx = input_src.astype(jnp.int32)
    h0t = h0[0].T
    c0t = c0[0].T
    bias = (b_ih + b_hh).reshape(4 * Hd, 1)

    t0 = 0
    out_t = None
    ht, ct = h0t, c0t
    for Tp in parts:
        Np = Tp * B
        idx_p = idx[t0:t0 + Tp].reshape(NW, Np // (NW * chunk), chunk)
        emb_p = _make_sc_gather(V, Hd, Np, B, NC, NS, chunk)(embed, idx_p)
        x2p = emb_p.reshape(Tp, Bh, 2 * Hd)
        out_t, ht, ct = _lstm_call(x2p, ht, ct, W_ih, W_hh, bias, T,
                                   t_off=t0, out_alias=out_t)
        t0 += Tp
    hTt, cTt = ht, ct

    out = out_t.transpose(0, 2, 1)
    hT = hTt.T[None]
    cT = cTt.T[None]
    return out, (hT, cT)

# --- scband reference (transcript-rebuilt; emitter-appended) ---
"""Pipeline reference for scband-encoder-lstm-43490838839755 (READ-ONLY COPY).

The authoritative reference and input builder live on the scoring server;
editing this copy changes nothing except your own understanding.
"""

import jax, jax.numpy as jnp
import numpy as np

V = 100000
H = 64
B = 1024
T = 50

def setup_inputs(seed: int = 0) -> dict:
    key = jax.random.key(seed)
    ks = jax.random.split(key, 6)
    input_src = jax.random.randint(ks[0], (T, B), 0, V, dtype=jnp.int64)
    h0 = jnp.zeros((1, B, H), dtype=jnp.float32)
    c0 = jnp.zeros((1, B, H), dtype=jnp.float32)
    embed = jax.random.normal(ks[1], (V, H), dtype=jnp.float32) * 0.02
    W_ih = jax.random.normal(ks[2], (4 * H, H), dtype=jnp.float32) * 0.05
    W_hh = jax.random.normal(ks[3], (4 * H, H), dtype=jnp.float32) * 0.05
    b_ih = jax.random.normal(ks[4], (4 * H,), dtype=jnp.float32) * 0.01
    b_hh = jax.random.normal(ks[5], (4 * H,), dtype=jnp.float32) * 0.01
    return {"input_src": input_src, "h0": h0, "c0": c0, "embed": embed,
            "W_ih": W_ih, "W_hh": W_hh, "b_ih": b_ih, "b_hh": b_hh}

def reference(input_src, h0, c0, embed, W_ih, W_hh, b_ih, b_hh):
    # embedding lookup (gather) -- SparseCore-mappable
    emb = jnp.take(embed, input_src, axis=0)  # [T, B, H]
    # dropout p=0 -> identity
    def step(carry, x_t):
        h, c = carry
        gates = x_t @ W_ih.T + h @ W_hh.T + b_ih + b_hh  # [B, 4H]
        i = jax.nn.sigmoid(gates[:, 0 * H:1 * H])
        f = jax.nn.sigmoid(gates[:, 1 * H:2 * H])
        g = jnp.tanh(gates[:, 2 * H:3 * H])
        o = jax.nn.sigmoid(gates[:, 3 * H:4 * H])
        c_new = f * c + i * g
        h_new = o * jnp.tanh(c_new)
        return (h_new, c_new), h_new
    (hT, cT), out = jax.lax.scan(step, (h0[0], c0[0]), emb)
    return out, (hT[None, :, :], cT[None, :, :])

if __name__ == "__main__":
    import jax
    _d = setup_inputs()
    print(jax.jit(kernel)(*tuple(_d.values())))

</pallas_src>

<mosaic_0001>
#map = affine_map<(d0, d1) -> (0, 0)>
#map1 = affine_map<(d0, d1) -> (0, 0, 0)>
module attributes {stable_mosaic.version = 14 : i64} {
  func.func @gather_k(%arg0: i32, %arg1: i32, %arg2: memref<100000x64xf32, #tpu.memory_space<hbm>>, %arg3: memref<32x8x64xi32, #tpu.memory_space<hbm>>, %arg4: memref<8192x128xf32, #tpu.memory_space<hbm>>, %arg5: memref<8x64xi32, #tpu.memory_space<vmem>>, %arg6: memref<64x64xf32, #tpu.memory_space<vmem>>, %arg7: memref<64x64xf32, #tpu.memory_space<vmem>>, %arg8: memref<!tpu.dma_semaphore, #tpu.memory_space<semaphore_mem>>, %arg9: memref<!tpu.dma_semaphore, #tpu.memory_space<semaphore_mem>>) attributes {dimension_semantics = [#tpu.dimension_semantics<core_parallel>, #tpu.dimension_semantics<subcore_parallel>], iteration_bounds = array<i64: 2, 16>, scalar_prefetch = 0 : i64, scratch_operands = 5 : i64, tpu.core_type = #tpu.core_type<sc_vector_subcore>, window_params = [{transform_indices = #map}, {transform_indices = #map1}, {transform_indices = #map}]} {
    %mul3A = arith.constant 2 : i32
    %mul3A_0 = arith.muli %arg1, %mul3A : i32
    %add3A = arith.addi %mul3A_0, %arg0 : i32
    "tpu.region"() ({
      %run_scoped3A = tpu.sem_alloc : memref<!tpu.dma_semaphore, #tpu.memory_space<semaphore_mem>>
      %dma_start3A_145 = arith.constant 0 : i32
      %dma_start3A_146 = arith.constant 0 : i32
      %dma_start3A_147 = tpu.memref_slice %arg3[%add3A, %dma_start3A_145, %dma_start3A_146] : memref<32x8x64xi32, #tpu.memory_space<hbm>> -> memref<1x8x64xi32, #tpu.memory_space<hbm>>
      %dma_start3A_148 = tpu.memref_squeeze %dma_start3A_147 : memref<1x8x64xi32, #tpu.memory_space<hbm>> -> memref<8x64xi32, #tpu.memory_space<hbm>>
      %dma_start3A_149 = arith.constant 0 : i32
      %dma_start3A_150 = arith.constant 0 : i32
      %dma_start3A_151 = tpu.memref_slice %arg3[%add3A, %dma_start3A_149, %dma_start3A_150] : memref<32x8x64xi32, #tpu.memory_space<hbm>> -> memref<1x8x64xi32, #tpu.memory_space<hbm>>
      %dma_start3A_152 = tpu.memref_squeeze %dma_start3A_151 : memref<1x8x64xi32, #tpu.memory_space<hbm>> -> memref<8x64xi32, #tpu.memory_space<hbm>>
      tpu.enqueue_dma source(%dma_start3A_152 : memref<8x64xi32, #tpu.memory_space<hbm>>) target(%arg5 : memref<8x64xi32, #tpu.memory_space<vmem>>) target_semaphore(%run_scoped3A : memref<!tpu.dma_semaphore, #tpu.memory_space<semaphore_mem>>)
      %dma_wait3A_153 = arith.constant 0 : i32
      %dma_wait3A_154 = arith.constant 0 : i32
      %dma_wait3A_155 = tpu.memref_slice %arg3[%add3A, %dma_wait3A_153, %dma_wait3A_154] : memref<32x8x64xi32, #tpu.memory_space<hbm>> -> memref<1x8x64xi32, #tpu.memory_space<hbm>>
      %dma_wait3A_156 = tpu.memref_squeeze %dma_wait3A_155 : memref<1x8x64xi32, #tpu.memory_space<hbm>> -> memref<8x64xi32, #tpu.memory_space<hbm>>
      %dma_wait3A_157 = arith.constant 0 : i32
      %dma_wait3A_158 = arith.constant 0 : i32
      %dma_wait3A_159 = tpu.memref_slice %arg3[%add3A, %dma_wait3A_157, %dma_wait3A_158] : memref<32x8x64xi32, #tpu.memory_space<hbm>> -> memref<1x8x64xi32, #tpu.memory_space<hbm>>
      %dma_wait3A_160 = tpu.memref_squeeze %dma_wait3A_159 : memref<1x8x64xi32, #tpu.memory_space<hbm>> -> memref<8x64xi32, #tpu.memory_space<hbm>>
      tpu.wait_dma2 semaphore(%run_scoped3A : memref<!tpu.dma_semaphore, #tpu.memory_space<semaphore_mem>>) src(%dma_wait3A_160 : memref<8x64xi32, #tpu.memory_space<hbm>>) dst(%arg5 : memref<8x64xi32, #tpu.memory_space<vmem>>)
      tpu.yield
    }) : () -> ()
    %mul3A_1 = arith.constant 512 : i32
    %mul3A_2 = arith.muli %add3A, %mul3A_1 : i32
    %dma_start3A = arith.constant 0 : i32
    %dma_start3A_3 = arith.constant 0 : i32
    %dma_start3A_4 = tpu.memref_slice %arg5[%dma_start3A, %dma_start3A_3] : memref<8x64xi32, #tpu.memory_space<vmem>> -> memref<1x64xi32, #tpu.memory_space<vmem>>
    %dma_start3A_5 = tpu.memref_squeeze %dma_start3A_4 : memref<1x64xi32, #tpu.memory_space<vmem>> -> memref<64xi32, #tpu.memory_space<vmem>>
    %dma_start3A_6 = arith.constant 0 : i32
    %dma_start3A_7 = arith.constant 0 : i32
    %dma_start3A_8 = tpu.memref_slice %arg2[%dma_start3A_6, %dma_start3A_7] : memref<100000x64xf32, #tpu.memory_space<hbm>> -> memref<100000x64xf32, #tpu.memory_space<hbm>>
    tpu.enqueue_indirect_dma source(%dma_start3A_8 : memref<100000x64xf32, #tpu.memory_space<hbm>>) target(%arg6 : memref<64x64xf32, #tpu.memory_space<vmem>>) offsets(%dma_start3A_5 : memref<64xi32, #tpu.memory_space<vmem>>) semaphore(%arg8 : memref<!tpu.dma_semaphore, #tpu.memory_space<semaphore_mem>>)
    %scan3A = arith.constant 0 : i32
    %scan3A_9 = arith.constant 0 : i32
    %scan3A_10 = arith.constant 3 : i32
    %scan3A_11 = arith.addi %scan3A_9, %scan3A_10 : i32
    %scan3A_12 = arith.constant 1 : i32
    %scan3A_13 = scf.for %scan3A_145 = %scan3A_9 to %scan3A_11 step %scan3A_12 iter_args(%scan3A_146 = %scan3A) -> (i32)  : i32 {
      %mul3A_147 = arith.constant 2 : i32
      %mul3A_148 = arith.muli %mul3A_147, %scan3A_145 : i32
      %add3A_149 = arith.constant 1 : i32
      %add3A_150 = arith.addi %mul3A_148, %add3A_149 : i32
      %dma_start3A_151 = arith.constant 0 : i32
      %dma_start3A_152 = tpu.memref_slice %arg5[%add3A_150, %dma_start3A_151] : memref<8x64xi32, #tpu.memory_space<vmem>> -> memref<1x64xi32, #tpu.memory_space<vmem>>
      %dma_start3A_153 = tpu.memref_squeeze %dma_start3A_152 : memref<1x64xi32, #tpu.memory_space<vmem>> -> memref<64xi32, #tpu.memory_space<vmem>>
      %dma_start3A_154 = arith.constant 0 : i32
      %dma_start3A_155 = arith.constant 0 : i32
      %dma_start3A_156 = tpu.memref_slice %arg2[%dma_start3A_154, %dma_start3A_155] : memref<100000x64xf32, #tpu.memory_space<hbm>> -> memref<100000x64xf32, #tpu.memory_space<hbm>>
      tpu.enqueue_indirect_dma source(%dma_start3A_156 : memref<100000x64xf32, #tpu.memory_space<hbm>>) target(%arg7 : memref<64x64xf32, #tpu.memory_space<vmem>>) offsets(%dma_start3A_153 : memref<64xi32, #tpu.memory_space<vmem>>) semaphore(%arg9 : memref<!tpu.dma_semaphore, #tpu.memory_space<semaphore_mem>>)
      %dma_wait3A_157 = arith.constant 0 : i32
      %dma_wait3A_158 = tpu.memref_slice %arg5[%mul3A_148, %dma_wait3A_157] : memref<8x64xi32, #tpu.memory_space<vmem>> -> memref<1x64xi32, #tpu.memory_space<vmem>>
      %dma_wait3A_159 = tpu.memref_squeeze %dma_wait3A_158 : memref<1x64xi32, #tpu.memory_space<vmem>> -> memref<64xi32, #tpu.memory_space<vmem>>
      %dma_wait3A_160 = arith.constant 0 : i32
      %dma_wait3A_161 = arith.constant 0 : i32
      %dma_wait3A_162 = tpu.memref_slice %arg2[%dma_wait3A_160, %dma_wait3A_161] : memref<100000x64xf32, #tpu.memory_space<hbm>> -> memref<100000x64xf32, #tpu.memory_space<hbm>>
      tpu.wait_indirect_dma semaphore(%arg8 : memref<!tpu.dma_semaphore, #tpu.memory_space<semaphore_mem>>) src(%dma_wait3A_162 : memref<100000x64xf32, #tpu.memory_space<hbm>>) dst(%arg6 : memref<64x64xf32, #tpu.memory_space<vmem>>)
      %mul3A_163 = arith.constant 64 : i32
      %mul3A_164 = arith.muli %mul3A_148, %mul3A_163 : i32
      %add3A_165 = arith.addi %mul3A_2, %mul3A_164 : i32
      %rem3A_166 = arith.constant 1024 : i32
      %rem3A_167 = arith.remsi %add3A_165, %rem3A_166 : i32
      %jit3A_168 = arith.constant 1024 : i32
      %div3A_169 = arith.divsi %add3A_165, %jit3A_168 : i32
      %sign3A_170 = arith.constant 0 : i32
      %sign3A_171 = arith.cmpi sgt, %add3A_165, %sign3A_170 : i32
      %sign3A_172 = arith.extui %sign3A_171 : i1 to i32
      %sign3A_173 = arith.constant 0 : i32
      %sign3A_174 = arith.cmpi slt, %add3A_165, %sign3A_173 : i32
      %sign3A_175 = arith.extui %sign3A_174 : i1 to i32
      %sign3A_176 = arith.subi %sign3A_172, %sign3A_175 : i32
      %sign3A_177 = arith.constant 0 : i32
      %sign3A_178 = arith.cmpi sgt, %jit3A_168, %sign3A_177 : i32
      %sign3A_179 = arith.extui %sign3A_178 : i1 to i32
      %sign3A_180 = arith.constant 0 : i32
      %sign3A_181 = arith.cmpi slt, %jit3A_168, %sign3A_180 : i32
      %sign3A_182 = arith.extui %sign3A_181 : i1 to i32
      %sign3A_183 = arith.subi %sign3A_179, %sign3A_182 : i32
      %ne3A_184 = arith.cmpi ne, %sign3A_176, %sign3A_183 : i32
      %rem3A_185 = arith.remsi %add3A_165, %jit3A_168 : i32
      %ne3A_186 = arith.constant 0 : i32
      %ne3A_187 = arith.cmpi ne, %rem3A_185, %ne3A_186 : i32
      %and3A_188 = arith.andi %ne3A_184, %ne3A_187 : i1
      %sub3A_189 = arith.constant 1 : i32
      %sub3A_190 = arith.subi %div3A_169, %sub3A_189 : i32
      %select_n3A_191 = arith.select %and3A_188, %sub3A_190, %div3A_169 : i32
      %mul3A_192 = arith.constant 512 : i32
      %mul3A_193 = arith.muli %select_n3A_191, %mul3A_192 : i32
      %rem3A_194 = arith.constant 512 : i32
      %rem3A_195 = arith.remsi %rem3A_167, %rem3A_194 : i32
      %add3A_196 = arith.addi %mul3A_193, %rem3A_195 : i32
      %jit3A_197 = arith.constant 512 : i32
      %div3A_198 = arith.divsi %rem3A_167, %jit3A_197 : i32
      %sign3A_199 = arith.constant 0 : i32
      %sign3A_200 = arith.cmpi sgt, %rem3A_167, %sign3A_199 : i32
      %sign3A_201 = arith.extui %sign3A_200 : i1 to i32
      %sign3A_202 = arith.constant 0 : i32
      %sign3A_203 = arith.cmpi slt, %rem3A_167, %sign3A_202 : i32
      %sign3A_204 = arith.extui %sign3A_203 : i1 to i32
      %sign3A_205 = arith.subi %sign3A_201, %sign3A_204 : i32
      %sign3A_206 = arith.constant 0 : i32
      %sign3A_207 = arith.cmpi sgt, %jit3A_197, %sign3A_206 : i32
      %sign3A_208 = arith.extui %sign3A_207 : i1 to i32
      %sign3A_209 = arith.constant 0 : i32
      %sign3A_210 = arith.cmpi slt, %jit3A_197, %sign3A_209 : i32
      %sign3A_211 = arith.extui %sign3A_210 : i1 to i32
      %sign3A_212 = arith.subi %sign3A_208, %sign3A_211 : i32
      %ne3A_213 = arith.cmpi ne, %sign3A_205, %sign3A_212 : i32
      %rem3A_214 = arith.remsi %rem3A_167, %jit3A_197 : i32
      %ne3A_215 = arith.constant 0 : i32
      %ne3A_216 = arith.cmpi ne, %rem3A_214, %ne3A_215 : i32
      %and3A_217 = arith.andi %ne3A_213, %ne3A_216 : i1
      %sub3A_218 = arith.constant 1 : i32
      %sub3A_219 = arith.subi %div3A_198, %sub3A_218 : i32
      %select_n3A_220 = arith.select %and3A_217, %sub3A_219, %div3A_198 : i32
      %mul3A_221 = arith.constant 64 : i32
      %mul3A_222 = arith.muli %select_n3A_220, %mul3A_221 : i32
      "tpu.region"() ({
        %run_scoped3A = tpu.sem_alloc : memref<!tpu.dma_semaphore, #tpu.memory_space<semaphore_mem>>
        %dma_start3A_300 = tpu.memref_slice %arg4[%add3A_196, %mul3A_222] : memref<8192x128xf32, #tpu.memory_space<hbm>> -> memref<64x64xf32, #tpu.memory_space<hbm>>
        %dma_start3A_301 = tpu.memref_slice %arg4[%add3A_196, %mul3A_222] : memref<8192x128xf32, #tpu.memory_space<hbm>> -> memref<64x64xf32, #tpu.memory_space<hbm>>
        tpu.enqueue_dma source(%arg6 : memref<64x64xf32, #tpu.memory_space<vmem>>) target(%dma_start3A_301 : memref<64x64xf32, #tpu.memory_space<hbm>>) target_semaphore(%run_scoped3A : memref<!tpu.dma_semaphore, #tpu.memory_space<semaphore_mem>>)
        %dma_wait3A_302 = tpu.memref_slice %arg4[%add3A_196, %mul3A_222] : memref<8192x128xf32, #tpu.memory_space<hbm>> -> memref<64x64xf32, #tpu.memory_space<hbm>>
        %dma_wait3A_303 = tpu.memref_slice %arg4[%add3A_196, %mul3A_222] : memref<8192x128xf32, #tpu.memory_space<hbm>> -> memref<64x64xf32, #tpu.memory_space<hbm>>
        tpu.wait_dma2 semaphore(%run_scoped3A : memref<!tpu.dma_semaphore, #tpu.memory_space<semaphore_mem>>) src(%arg6 : memref<64x64xf32, #tpu.memory_space<vmem>>) dst(%dma_wait3A_303 : memref<64x64xf32, #tpu.memory_space<hbm>>)
        tpu.yield
      }) : () -> ()
      %add3A_223 = arith.constant 2 : i32
      %add3A_224 = arith.addi %mul3A_148, %add3A_223 : i32
      %dma_start3A_225 = arith.constant 0 : i32
      %dma_start3A_226 = tpu.memref_slice %arg5[%add3A_224, %dma_start3A_225] : memref<8x64xi32, #tpu.memory_space<vmem>> -> memref<1x64xi32, #tpu.memory_space<vmem>>
      %dma_start3A_227 = tpu.memref_squeeze %dma_start3A_226 : memref<1x64xi32, #tpu.memory_space<vmem>> -> memref<64xi32, #tpu.memory_space<vmem>>
      %dma_start3A_228 = arith.constant 0 : i32
      %dma_start3A_229 = arith.constant 0 : i32
      %dma_start3A_230 = tpu.memref_slice %arg2[%dma_start3A_228, %dma_start3A_229] : memref<100000x64xf32, #tpu.memory_space<hbm>> -> memref<100000x64xf32, #tpu.memory_space<hbm>>
      tpu.enqueue_indirect_dma source(%dma_start3A_230 : memref<100000x64xf32, #tpu.memory_space<hbm>>) target(%arg6 : memref<64x64xf32, #tpu.memory_space<vmem>>) offsets(%dma_start3A_227 : memref<64xi32, #tpu.memory_space<vmem>>) semaphore(%arg8 : memref<!tpu.dma_semaphore, #tpu.memory_space<semaphore_mem>>)
      %add3A_231 = arith.constant 1 : i32
      %add3A_232 = arith.addi %mul3A_148, %add3A_231 : i32
      %dma_wait3A_233 = arith.constant 0 : i32
      %dma_wait3A_234 = tpu.memref_slice %arg5[%add3A_232, %dma_wait3A_233] : memref<8x64xi32, #tpu.memory_space<vmem>> -> memref<1x64xi32, #tpu.memory_space<vmem>>
      %dma_wait3A_235 = tpu.memref_squeeze %dma_wait3A_234 : memref<1x64xi32, #tpu.memory_space<vmem>> -> memref<64xi32, #tpu.memory_space<vmem>>
      %dma_wait3A_236 = arith.constant 0 : i32
      %dma_wait3A_237 = arith.constant 0 : i32
      %dma_wait3A_238 = tpu.memref_slice %arg2[%dma_wait3A_236, %dma_wait3A_237] : memref<100000x64xf32, #tpu.memory_space<hbm>> -> memref<100000x64xf32, #tpu.memory_space<hbm>>
      tpu.wait_indirect_dma semaphore(%arg9 : memref<!tpu.dma_semaphore, #tpu.memory_space<semaphore_mem>>) src(%dma_wait3A_238 : memref<100000x64xf32, #tpu.memory_space<hbm>>) dst(%arg7 : memref<64x64xf32, #tpu.memory_space<vmem>>)
      %mul3A_239 = arith.constant 64 : i32
      %mul3A_240 = arith.muli %add3A_232, %mul3A_239 : i32
      %add3A_241 = arith.addi %mul3A_2, %mul3A_240 : i32
      %rem3A_242 = arith.constant 1024 : i32
      %rem3A_243 = arith.remsi %add3A_241, %rem3A_242 : i32
      %jit3A_244 = arith.constant 1024 : i32
      %div3A_245 = arith.divsi %add3A_241, %jit3A_244 : i32
      %sign3A_246 = arith.constant 0 : i32
      %sign3A_247 = arith.cmpi sgt, %add3A_241, %sign3A_246 : i32
      %sign3A_248 = arith.extui %sign3A_247 : i1 to i32
      %sign3A_249 = arith.constant 0 : i32
      %sign3A_250 = arith.cmpi slt, %add3A_241, %sign3A_249 : i32
      %sign3A_251 = arith.extui %sign3A_250 : i1 to i32
      %sign3A_252 = arith.subi %sign3A_248, %sign3A_251 : i32
      %sign3A_253 = arith.constant 0 : i32
      %sign3A_254 = arith.cmpi sgt, %jit3A_244, %sign3A_253 : i32
      %sign3A_255 = arith.extui %sign3A_254 : i1 to i32
      %sign3A_256 = arith.constant 0 : i32
      %sign3A_257 = arith.cmpi slt, %jit3A_244, %sign3A_256 : i32
      %sign3A_258 = arith.extui %sign3A_257 : i1 to i32
      %sign3A_259 = arith.subi %sign3A_255, %sign3A_258 : i32
      %ne3A_260 = arith.cmpi ne, %sign3A_252, %sign3A_259 : i32
      %rem3A_261 = arith.remsi %add3A_241, %jit3A_244 : i32
      %ne3A_262 = arith.constant 0 : i32
      %ne3A_263 = arith.cmpi ne, %rem3A_261, %ne3A_262 : i32
      %and3A_264 = arith.andi %ne3A_260, %ne3A_263 : i1
      %sub3A_265 = arith.constant 1 : i32
      %sub3A_266 = arith.subi %div3A_245, %sub3A_265 : i32
      %select_n3A_267 = arith.select %and3A_264, %sub3A_266, %div3A_245 : i32
      %mul3A_268 = arith.constant 512 : i32
      %mul3A_269 = arith.muli %select_n3A_267, %mul3A_268 : i32
      %rem3A_270 = arith.constant 512 : i32
      %rem3A_271 = arith.remsi %rem3A_243, %rem3A_270 : i32
      %add3A_272 = arith.addi %mul3A_269, %rem3A_271 : i32
      %jit3A_273 = arith.constant 512 : i32
      %div3A_274 = arith.divsi %rem3A_243, %jit3A_273 : i32
      %sign3A_275 = arith.constant 0 : i32
      %sign3A_276 = arith.cmpi sgt, %rem3A_243, %sign3A_275 : i32
      %sign3A_277 = arith.extui %sign3A_276 : i1 to i32
      %sign3A_278 = arith.constant 0 : i32
      %sign3A_279 = arith.cmpi slt, %rem3A_243, %sign3A_278 : i32
      %sign3A_280 = arith.extui %sign3A_279 : i1 to i32
      %sign3A_281 = arith.subi %sign3A_277, %sign3A_280 : i32
      %sign3A_282 = arith.constant 0 : i32
      %sign3A_283 = arith.cmpi sgt, %jit3A_273, %sign3A_282 : i32
      %sign3A_284 = arith.extui %sign3A_283 : i1 to i32
      %sign3A_285 = arith.constant 0 : i32
      %sign3A_286 = arith.cmpi slt, %jit3A_273, %sign3A_285 : i32
      %sign3A_287 = arith.extui %sign3A_286 : i1 to i32
      %sign3A_288 = arith.subi %sign3A_284, %sign3A_287 : i32
      %ne3A_289 = arith.cmpi ne, %sign3A_281, %sign3A_288 : i32
      %rem3A_290 = arith.remsi %rem3A_243, %jit3A_273 : i32
      %ne3A_291 = arith.constant 0 : i32
      %ne3A_292 = arith.cmpi ne, %rem3A_290, %ne3A_291 : i32
      %and3A_293 = arith.andi %ne3A_289, %ne3A_292 : i1
      %sub3A_294 = arith.constant 1 : i32
      %sub3A_295 = arith.subi %div3A_274, %sub3A_294 : i32
      %select_n3A_296 = arith.select %and3A_293, %sub3A_295, %div3A_274 : i32
      %mul3A_297 = arith.constant 64 : i32
      %mul3A_298 = arith.muli %select_n3A_296, %mul3A_297 : i32
      "tpu.region"() ({
        %run_scoped3A = tpu.sem_alloc : memref<!tpu.dma_semaphore, #tpu.memory_space<semaphore_mem>>
        %dma_start3A_300 = tpu.memref_slice %arg4[%add3A_272, %mul3A_298] : memref<8192x128xf32, #tpu.memory_space<hbm>> -> memref<64x64xf32, #tpu.memory_space<hbm>>
        %dma_start3A_301 = tpu.memref_slice %arg4[%add3A_272, %mul3A_298] : memref<8192x128xf32, #tpu.memory_space<hbm>> -> memref<64x64xf32, #tpu.memory_space<hbm>>
        tpu.enqueue_dma source(%arg7 : memref<64x64xf32, #tpu.memory_space<vmem>>) target(%dma_start3A_301 : memref<64x64xf32, #tpu.memory_space<hbm>>) target_semaphore(%run_scoped3A : memref<!tpu.dma_semaphore, #tpu.memory_space<semaphore_mem>>)
        %dma_wait3A_302 = tpu.memref_slice %arg4[%add3A_272, %mul3A_298] : memref<8192x128xf32, #tpu.memory_space<hbm>> -> memref<64x64xf32, #tpu.memory_space<hbm>>
        %dma_wait3A_303 = tpu.memref_slice %arg4[%add3A_272, %mul3A_298] : memref<8192x128xf32, #tpu.memory_space<hbm>> -> memref<64x64xf32, #tpu.memory_space<hbm>>
        tpu.wait_dma2 semaphore(%run_scoped3A : memref<!tpu.dma_semaphore, #tpu.memory_space<semaphore_mem>>) src(%arg7 : memref<64x64xf32, #tpu.memory_space<vmem>>) dst(%dma_wait3A_303 : memref<64x64xf32, #tpu.memory_space<hbm>>)
        tpu.yield
      }) : () -> ()
      %scan3A_299 = arith.constant 0 : i32
      scf.yield %scan3A_299 : i32
    }
    %scan3A_14 = arith.constant 3 : i32
    %dma_start3A_15 = arith.constant 7 : i32
    %dma_start3A_16 = arith.constant 0 : i32
    %dma_start3A_17 = tpu.memref_slice %arg5[%dma_start3A_15, %dma_start3A_16] : memref<8x64xi32, #tpu.memory_space<vmem>> -> memref<1x64xi32, #tpu.memory_space<vmem>>
    %dma_start3A_18 = tpu.memref_squeeze %dma_start3A_17 : memref<1x64xi32, #tpu.memory_space<vmem>> -> memref<64xi32, #tpu.memory_space<vmem>>
    %dma_start3A_19 = arith.constant 0 : i32
    %dma_start3A_20 = arith.constant 0 : i32
    %dma_start3A_21 = tpu.memref_slice %arg2[%dma_start3A_19, %dma_start3A_20] : memref<100000x64xf32, #tpu.memory_space<hbm>> -> memref<100000x64xf32, #tpu.memory_space<hbm>>
    tpu.enqueue_indirect_dma source(%dma_start3A_21 : memref<100000x64xf32, #tpu.memory_space<hbm>>) target(%arg7 : memref<64x64xf32, #tpu.memory_space<vmem>>) offsets(%dma_start3A_18 : memref<64xi32, #tpu.memory_space<vmem>>) semaphore(%arg9 : memref<!tpu.dma_semaphore, #tpu.memory_space<semaphore_mem>>)
    %dma_wait3A = arith.constant 6 : i32
    %dma_wait3A_22 = arith.constant 0 : i32
    %dma_wait3A_23 = tpu.memref_slice %arg5[%dma_wait3A, %dma_wait3A_22] : memref<8x64xi32, #tpu.memory_space<vmem>> -> memref<1x64xi32, #tpu.memory_space<vmem>>
    %dma_wait3A_24 = tpu.memref_squeeze %dma_wait3A_23 : memref<1x64xi32, #tpu.memory_space<vmem>> -> memref<64xi32, #tpu.memory_space<vmem>>
    %dma_wait3A_25 = arith.constant 0 : i32
    %dma_wait3A_26 = arith.constant 0 : i32
    %dma_wait3A_27 = tpu.memref_slice %arg2[%dma_wait3A_25, %dma_wait3A_26] : memref<100000x64xf32, #tpu.memory_space<hbm>> -> memref<100000x64xf32, #tpu.memory_space<hbm>>
    tpu.wait_indirect_dma semaphore(%arg8 : memref<!tpu.dma_semaphore, #tpu.memory_space<semaphore_mem>>) src(%dma_wait3A_27 : memref<100000x64xf32, #tpu.memory_space<hbm>>) dst(%arg6 : memref<64x64xf32, #tpu.memory_space<vmem>>)
    %add3A_28 = arith.constant 384 : i32
    %add3A_29 = arith.addi %mul3A_2, %add3A_28 : i32
    %rem3A = arith.constant 1024 : i32
    %rem3A_30 = arith.remsi %add3A_29, %rem3A : i32
    %jit3A = arith.constant 1024 : i32
    %div3A = arith.divsi %add3A_29, %jit3A : i32
    %sign3A = arith.constant 0 : i32
    %sign3A_31 = arith.cmpi sgt, %add3A_29, %sign3A : i32
    %sign3A_32 = arith.extui %sign3A_31 : i1 to i32
    %sign3A_33 = arith.constant 0 : i32
    %sign3A_34 = arith.cmpi slt, %add3A_29, %sign3A_33 : i32
    %sign3A_35 = arith.extui %sign3A_34 : i1 to i32
    %sign3A_36 = arith.subi %sign3A_32, %sign3A_35 : i32
    %sign3A_37 = arith.constant 0 : i32
    %sign3A_38 = arith.cmpi sgt, %jit3A, %sign3A_37 : i32
    %sign3A_39 = arith.extui %sign3A_38 : i1 to i32
    %sign3A_40 = arith.constant 0 : i32
    %sign3A_41 = arith.cmpi slt, %jit3A, %sign3A_40 : i32
    %sign3A_42 = arith.extui %sign3A_41 : i1 to i32
    %sign3A_43 = arith.subi %sign3A_39, %sign3A_42 : i32
    %ne3A = arith.cmpi ne, %sign3A_36, %sign3A_43 : i32
    %rem3A_44 = arith.remsi %add3A_29, %jit3A : i32
    %ne3A_45 = arith.constant 0 : i32
    %ne3A_46 = arith.cmpi ne, %rem3A_44, %ne3A_45 : i32
    %and3A = arith.andi %ne3A, %ne3A_46 : i1
    %sub3A = arith.constant 1 : i32
    %sub3A_47 = arith.subi %div3A, %sub3A : i32
    %select_n3A = arith.select %and3A, %sub3A_47, %div3A : i32
    %mul3A_48 = arith.constant 512 : i32
    %mul3A_49 = arith.muli %select_n3A, %mul3A_48 : i32
    %rem3A_50 = arith.constant 512 : i32
    %rem3A_51 = arith.remsi %rem3A_30, %rem3A_50 : i32
    %add3A_52 = arith.addi %mul3A_49, %rem3A_51 : i32
    %jit3A_53 = arith.constant 512 : i32
    %div3A_54 = arith.divsi %rem3A_30, %jit3A_53 : i32
    %sign3A_55 = arith.constant 0 : i32
    %sign3A_56 = arith.cmpi sgt, %rem3A_30, %sign3A_55 : i32
    %sign3A_57 = arith.extui %sign3A_56 : i1 to i32
    %sign3A_58 = arith.constant 0 : i32
    %sign3A_59 = arith.cmpi slt, %rem3A_30, %sign3A_58 : i32
    %sign3A_60 = arith.extui %sign3A_59 : i1 to i32
    %sign3A_61 = arith.subi %sign3A_57, %sign3A_60 : i32
    %sign3A_62 = arith.constant 0 : i32
    %sign3A_63 = arith.cmpi sgt, %jit3A_53, %sign3A_62 : i32
    %sign3A_64 = arith.extui %sign3A_63 : i1 to i32
    %sign3A_65 = arith.constant 0 : i32
    %sign3A_66 = arith.cmpi slt, %jit3A_53, %sign3A_65 : i32
    %sign3A_67 = arith.extui %sign3A_66 : i1 to i32
    %sign3A_68 = arith.subi %sign3A_64, %sign3A_67 : i32
    %ne3A_69 = arith.cmpi ne, %sign3A_61, %sign3A_68 : i32
    %rem3A_70 = arith.remsi %rem3A_30, %jit3A_53 : i32
    %ne3A_71 = arith.constant 0 : i32
    %ne3A_72 = arith.cmpi ne, %rem3A_70, %ne3A_71 : i32
    %and3A_73 = arith.andi %ne3A_69, %ne3A_72 : i1
    %sub3A_74 = arith.constant 1 : i32
    %sub3A_75 = arith.subi %div3A_54, %sub3A_74 : i32
    %select_n3A_76 = arith.select %and3A_73, %sub3A_75, %div3A_54 : i32
    %mul3A_77 = arith.constant 64 : i32
    %mul3A_78 = arith.muli %select_n3A_76, %mul3A_77 : i32
    "tpu.region"() ({
      %run_scoped3A = tpu.sem_alloc : memref<!tpu.dma_semaphore, #tpu.memory_space<semaphore_mem>>
      %dma_start3A_145 = tpu.memref_slice %arg4[%add3A_52, %mul3A_78] : memref<8192x128xf32, #tpu.memory_space<hbm>> -> memref<64x64xf32, #tpu.memory_space<hbm>>
      %dma_start3A_146 = tpu.memref_slice %arg4[%add3A_52, %mul3A_78] : memref<8192x128xf32, #tpu.memory_space<hbm>> -> memref<64x64xf32, #tpu.memory_space<hbm>>
      tpu.enqueue_dma source(%arg6 : memref<64x64xf32, #tpu.memory_space<vmem>>) target(%dma_start3A_146 : memref<64x64xf32, #tpu.memory_space<hbm>>) target_semaphore(%run_scoped3A : memref<!tpu.dma_semaphore, #tpu.memory_space<semaphore_mem>>)
      %dma_wait3A_147 = tpu.memref_slice %arg4[%add3A_52, %mul3A_78] : memref<8192x128xf32, #tpu.memory_space<hbm>> -> memref<64x64xf32, #tpu.memory_space<hbm>>
      %dma_wait3A_148 = tpu.memref_slice %arg4[%add3A_52, %mul3A_78] : memref<8192x128xf32, #tpu.memory_space<hbm>> -> memref<64x64xf32, #tpu.memory_space<hbm>>
      tpu.wait_dma2 semaphore(%run_scoped3A : memref<!tpu.dma_semaphore, #tpu.memory_space<semaphore_mem>>) src(%arg6 : memref<64x64xf32, #tpu.memory_space<vmem>>) dst(%dma_wait3A_148 : memref<64x64xf32, #tpu.memory_space<hbm>>)
      tpu.yield
    }) : () -> ()
    %dma_wait3A_79 = arith.constant 7 : i32
    %dma_wait3A_80 = arith.constant 0 : i32
    %dma_wait3A_81 = tpu.memref_slice %arg5[%dma_wait3A_79, %dma_wait3A_80] : memref<8x64xi32, #tpu.memory_space<vmem>> -> memref<1x64xi32, #tpu.memory_space<vmem>>
    %dma_wait3A_82 = tpu.memref_squeeze %dma_wait3A_81 : memref<1x64xi32, #tpu.memory_space<vmem>> -> memref<64xi32, #tpu.memory_space<vmem>>
    %dma_wait3A_83 = arith.constant 0 : i32
    %dma_wait3A_84 = arith.constant 0 : i32
    %dma_wait3A_85 = tpu.memref_slice %arg2[%dma_wait3A_83, %dma_wait3A_84] : memref<100000x64xf32, #tpu.memory_space<hbm>> -> memref<100000x64xf32, #tpu.memory_space<hbm>>
    tpu.wait_indirect_dma semaphore(%arg9 : memref<!tpu.dma_semaphore, #tpu.memory_space<semaphore_mem>>) src(%dma_wait3A_85 : memref<100000x64xf32, #tpu.memory_space<hbm>>) dst(%arg7 : memref<64x64xf32, #tpu.memory_space<vmem>>)
    %add3A_86 = arith.constant 448 : i32
    %add3A_87 = arith.addi %mul3A_2, %add3A_86 : i32
    %rem3A_88 = arith.constant 1024 : i32
    %rem3A_89 = arith.remsi %add3A_87, %rem3A_88 : i32
    %jit3A_90 = arith.constant 1024 : i32
    %div3A_91 = arith.divsi %add3A_87, %jit3A_90 : i32
    %sign3A_92 = arith.constant 0 : i32
    %sign3A_93 = arith.cmpi sgt, %add3A_87, %sign3A_92 : i32
    %sign3A_94 = arith.extui %sign3A_93 : i1 to i32
    %sign3A_95 = arith.constant 0 : i32
    %sign3A_96 = arith.cmpi slt, %add3A_87, %sign3A_95 : i32
    %sign3A_97 = arith.extui %sign3A_96 : i1 to i32
    %sign3A_98 = arith.subi %sign3A_94, %sign3A_97 : i32
    %sign3A_99 = arith.constant 0 : i32
    %sign3A_100 = arith.cmpi sgt, %jit3A_90, %sign3A_99 : i32
    %sign3A_101 = arith.extui %sign3A_100 : i1 to i32
    %sign3A_102 = arith.constant 0 : i32
    %sign3A_103 = arith.cmpi slt, %jit3A_90, %sign3A_102 : i32
    %sign3A_104 = arith.extui %sign3A_103 : i1 to i32
    %sign3A_105 = arith.subi %sign3A_101, %sign3A_104 : i32
    %ne3A_106 = arith.cmpi ne, %sign3A_98, %sign3A_105 : i32
    %rem3A_107 = arith.remsi %add3A_87, %jit3A_90 : i32
    %ne3A_108 = arith.constant 0 : i32
    %ne3A_109 = arith.cmpi ne, %rem3A_107, %ne3A_108 : i32
    %and3A_110 = arith.andi %ne3A_106, %ne3A_109 : i1
    %sub3A_111 = arith.constant 1 : i32
    %sub3A_112 = arith.subi %div3A_91, %sub3A_111 : i32
    %select_n3A_113 = arith.select %and3A_110, %sub3A_112, %div3A_91 : i32
    %mul3A_114 = arith.constant 512 : i32
    %mul3A_115 = arith.muli %select_n3A_113, %mul3A_114 : i32
    %rem3A_116 = arith.constant 512 : i32
    %rem3A_117 = arith.remsi %rem3A_89, %rem3A_116 : i32
    %add3A_118 = arith.addi %mul3A_115, %rem3A_117 : i32
    %jit3A_119 = arith.constant 512 : i32
    %div3A_120 = arith.divsi %rem3A_89, %jit3A_119 : i32
    %sign3A_121 = arith.constant 0 : i32
    %sign3A_122 = arith.cmpi sgt, %rem3A_89, %sign3A_121 : i32
    %sign3A_123 = arith.extui %sign3A_122 : i1 to i32
    %sign3A_124 = arith.constant 0 : i32
    %sign3A_125 = arith.cmpi slt, %rem3A_89, %sign3A_124 : i32
    %sign3A_126 = arith.extui %sign3A_125 : i1 to i32
    %sign3A_127 = arith.subi %sign3A_123, %sign3A_126 : i32
    %sign3A_128 = arith.constant 0 : i32
    %sign3A_129 = arith.cmpi sgt, %jit3A_119, %sign3A_128 : i32
    %sign3A_130 = arith.extui %sign3A_129 : i1 to i32
    %sign3A_131 = arith.constant 0 : i32
    %sign3A_132 = arith.cmpi slt, %jit3A_119, %sign3A_131 : i32
    %sign3A_133 = arith.extui %sign3A_132 : i1 to i32
    %sign3A_134 = arith.subi %sign3A_130, %sign3A_133 : i32
    %ne3A_135 = arith.cmpi ne, %sign3A_127, %sign3A_134 : i32
    %rem3A_136 = arith.remsi %rem3A_89, %jit3A_119 : i32
    %ne3A_137 = arith.constant 0 : i32
    %ne3A_138 = arith.cmpi ne, %rem3A_136, %ne3A_137 : i32
    %and3A_139 = arith.andi %ne3A_135, %ne3A_138 : i1
    %sub3A_140 = arith.constant 1 : i32
    %sub3A_141 = arith.subi %div3A_120, %sub3A_140 : i32
    %select_n3A_142 = arith.select %and3A_139, %sub3A_141, %div3A_120 : i32
    %mul3A_143 = arith.constant 64 : i32
    %mul3A_144 = arith.muli %select_n3A_142, %mul3A_143 : i32
    "tpu.region"() ({
      %run_scoped3A = tpu.sem_alloc : memref<!tpu.dma_semaphore, #tpu.memory_space<semaphore_mem>>
      %dma_start3A_145 = tpu.memref_slice %arg4[%add3A_118, %mul3A_144] : memref<8192x128xf32, #tpu.memory_space<hbm>> -> memref<64x64xf32, #tpu.memory_space<hbm>>
      %dma_start3A_146 = tpu.memref_slice %arg4[%add3A_118, %mul3A_144] : memref<8192x128xf32, #tpu.memory_space<hbm>> -> memref<64x64xf32, #tpu.memory_space<hbm>>
      tpu.enqueue_dma source(%arg7 : memref<64x64xf32, #tpu.memory_space<vmem>>) target(%dma_start3A_146 : memref<64x64xf32, #tpu.memory_space<hbm>>) target_semaphore(%run_scoped3A : memref<!tpu.dma_semaphore, #tpu.memory_space<semaphore_mem>>)
      %dma_wait3A_147 = tpu.memref_slice %arg4[%add3A_118, %mul3A_144] : memref<8192x128xf32, #tpu.memory_space<hbm>> -> memref<64x64xf32, #tpu.memory_space<hbm>>
      %dma_wait3A_148 = tpu.memref_slice %arg4[%add3A_118, %mul3A_144] : memref<8192x128xf32, #tpu.memory_space<hbm>> -> memref<64x64xf32, #tpu.memory_space<hbm>>
      tpu.wait_dma2 semaphore(%run_scoped3A : memref<!tpu.dma_semaphore, #tpu.memory_space<semaphore_mem>>) src(%arg7 : memref<64x64xf32, #tpu.memory_space<vmem>>) dst(%dma_wait3A_148 : memref<64x64xf32, #tpu.memory_space<hbm>>)
      tpu.yield
    }) : () -> ()
    return
  }
}

#map = affine_map<(d0, d1) -> (0, 0)>
#map1 = affine_map<(d0, d1) -> (0, 0, 0)>
module attributes {stable_mosaic.version = 14 : i64} {
  func.func @gather_k(%arg0: i32, %arg1: i32, %arg2: memref<100000x64xf32, #tpu.memory_space<hbm>>, %arg3: memref<32x17x64xi32, #tpu.memory_space<hbm>>, %arg4: memref<17408x128xf32, #tpu.memory_space<hbm>>, %arg5: memref<17x64xi32, #tpu.memory_space<vmem>>, %arg6: memref<64x64xf32, #tpu.memory_space<vmem>>, %arg7: memref<64x64xf32, #tpu.memory_space<vmem>>, %arg8: memref<!tpu.dma_semaphore, #tpu.memory_space<semaphore_mem>>, %arg9: memref<!tpu.dma_semaphore, #tpu.memory_space<semaphore_mem>>) attributes {dimension_semantics = [#tpu.dimension_semantics<core_parallel>, #tpu.dimension_semantics<subcore_parallel>], iteration_bounds = array<i64: 2, 16>, scalar_prefetch = 0 : i64, scratch_operands = 5 : i64, tpu.core_type = #tpu.core_type<sc_vector_subcore>, window_params = [{transform_indices = #map}, {transform_indices = #map1}, {transform_indices = #map}]} {
    %mul3A = arith.constant 2 : i32
    %mul3A_0 = arith.muli %arg1, %mul3A : i32
    %add3A = arith.addi %mul3A_0, %arg0 : i32
    "tpu.region"() ({
      %run_scoped3A = tpu.sem_alloc : memref<!tpu.dma_semaphore, #tpu.memory_space<semaphore_mem>>
      %dma_start3A_72 = arith.constant 0 : i32
      %dma_start3A_73 = arith.constant 0 : i32
      %dma_start3A_74 = tpu.memref_slice %arg3[%add3A, %dma_start3A_72, %dma_start3A_73] : memref<32x17x64xi32, #tpu.memory_space<hbm>> -> memref<1x17x64xi32, #tpu.memory_space<hbm>>
      %dma_start3A_75 = tpu.memref_squeeze %dma_start3A_74 : memref<1x17x64xi32, #tpu.memory_space<hbm>> -> memref<17x64xi32, #tpu.memory_space<hbm>>
      %dma_start3A_76 = arith.constant 0 : i32
      %dma_start3A_77 = arith.constant 0 : i32
      %dma_start3A_78 = tpu.memref_slice %arg3[%add3A, %dma_start3A_76, %dma_start3A_77] : memref<32x17x64xi32, #tpu.memory_space<hbm>> -> memref<1x17x64xi32, #tpu.memory_space<hbm>>
      %dma_start3A_79 = tpu.memref_squeeze %dma_start3A_78 : memref<1x17x64xi32, #tpu.memory_space<hbm>> -> memref<17x64xi32, #tpu.memory_space<hbm>>
      tpu.enqueue_dma source(%dma_start3A_79 : memref<17x64xi32, #tpu.memory_space<hbm>>) target(%arg5 : memref<17x64xi32, #tpu.memory_space<vmem>>) target_semaphore(%run_scoped3A : memref<!tpu.dma_semaphore, #tpu.memory_space<semaphore_mem>>)
      %dma_wait3A_80 = arith.constant 0 : i32
      %dma_wait3A_81 = arith.constant 0 : i32
      %dma_wait3A_82 = tpu.memref_slice %arg3[%add3A, %dma_wait3A_80, %dma_wait3A_81] : memref<32x17x64xi32, #tpu.memory_space<hbm>> -> memref<1x17x64xi32, #tpu.memory_space<hbm>>
      %dma_wait3A_83 = tpu.memref_squeeze %dma_wait3A_82 : memref<1x17x64xi32, #tpu.memory_space<hbm>> -> memref<17x64xi32, #tpu.memory_space<hbm>>
      %dma_wait3A_84 = arith.constant 0 : i32
      %dma_wait3A_85 = arith.constant 0 : i32
      %dma_wait3A_86 = tpu.memref_slice %arg3[%add3A, %dma_wait3A_84, %dma_wait3A_85] : memref<32x17x64xi32, #tpu.memory_space<hbm>> -> memref<1x17x64xi32, #tpu.memory_space<hbm>>
      %dma_wait3A_87 = tpu.memref_squeeze %dma_wait3A_86 : memref<1x17x64xi32, #tpu.memory_space<hbm>> -> memref<17x64xi32, #tpu.memory_space<hbm>>
      tpu.wait_dma2 semaphore(%run_scoped3A : memref<!tpu.dma_semaphore, #tpu.memory_space<semaphore_mem>>) src(%dma_wait3A_87 : memref<17x64xi32, #tpu.memory_space<hbm>>) dst(%arg5 : memref<17x64xi32, #tpu.memory_space<vmem>>)
      tpu.yield
    }) : () -> ()
    %mul3A_1 = arith.constant 1088 : i32
    %mul3A_2 = arith.muli %add3A, %mul3A_1 : i32
    %dma_start3A = arith.constant 0 : i32
    %dma_start3A_3 = arith.constant 0 : i32
    %dma_start3A_4 = tpu.memref_slice %arg5[%dma_start3A, %dma_start3A_3] : memref<17x64xi32, #tpu.memory_space<vmem>> -> memref<1x64xi32, #tpu.memory_space<vmem>>
    %dma_start3A_5 = tpu.memref_squeeze %dma_start3A_4 : memref<1x64xi32, #tpu.memory_space<vmem>> -> memref<64xi32, #tpu.memory_space<vmem>>
    %dma_start3A_6 = arith.constant 0 : i32
    %dma_start3A_7 = arith.constant 0 : i32
    %dma_start3A_8 = tpu.memref_slice %arg2[%dma_start3A_6, %dma_start3A_7] : memref<100000x64xf32, #tpu.memory_space<hbm>> -> memref<100000x64xf32, #tpu.memory_space<hbm>>
    tpu.enqueue_indirect_dma source(%dma_start3A_8 : memref<100000x64xf32, #tpu.memory_space<hbm>>) target(%arg6 : memref<64x64xf32, #tpu.memory_space<vmem>>) offsets(%dma_start3A_5 : memref<64xi32, #tpu.memory_space<vmem>>) semaphore(%arg8 : memref<!tpu.dma_semaphore, #tpu.memory_space<semaphore_mem>>)
    %scan3A = arith.constant 0 : i32
    %scan3A_9 = arith.constant 0 : i32
    %scan3A_10 = arith.constant 8 : i32
    %scan3A_11 = arith.addi %scan3A_9, %scan3A_10 : i32
    %scan3A_12 = arith.constant 1 : i32
    %scan3A_13 = scf.for %scan3A_72 = %scan3A_9 to %scan3A_11 step %scan3A_12 iter_args(%scan3A_73 = %scan3A) -> (i32)  : i32 {
      %mul3A_74 = arith.constant 2 : i32
      %mul3A_75 = arith.muli %mul3A_74, %scan3A_72 : i32
      %add3A_76 = arith.constant 1 : i32
      %add3A_77 = arith.addi %mul3A_75, %add3A_76 : i32
      %dma_start3A_78 = arith.constant 0 : i32
      %dma_start3A_79 = tpu.memref_slice %arg5[%add3A_77, %dma_start3A_78] : memref<17x64xi32, #tpu.memory_space<vmem>> -> memref<1x64xi32, #tpu.memory_space<vmem>>
      %dma_start3A_80 = tpu.memref_squeeze %dma_start3A_79 : memref<1x64xi32, #tpu.memory_space<vmem>> -> memref<64xi32, #tpu.memory_space<vmem>>
      %dma_start3A_81 = arith.constant 0 : i32
      %dma_start3A_82 = arith.constant 0 : i32
      %dma_start3A_83 = tpu.memref_slice %arg2[%dma_start3A_81, %dma_start3A_82] : memref<100000x64xf32, #tpu.memory_space<hbm>> -> memref<100000x64xf32, #tpu.memory_space<hbm>>
      tpu.enqueue_indirect_dma source(%dma_start3A_83 : memref<100000x64xf32, #tpu.memory_space<hbm>>) target(%arg7 : memref<64x64xf32, #tpu.memory_space<vmem>>) offsets(%dma_start3A_80 : memref<64xi32, #tpu.memory_space<vmem>>) semaphore(%arg9 : memref<!tpu.dma_semaphore, #tpu.memory_space<semaphore_mem>>)
      %dma_wait3A_84 = arith.constant 0 : i32
      %dma_wait3A_85 = tpu.memref_slice %arg5[%mul3A_75, %dma_wait3A_84] : memref<17x64xi32, #tpu.memory_space<vmem>> -> memref<1x64xi32, #tpu.memory_space<vmem>>
      %dma_wait3A_86 = tpu.memref_squeeze %dma_wait3A_85 : memref<1x64xi32, #tpu.memory_space<vmem>> -> memref<64xi32, #tpu.memory_space<vmem>>
      %dma_wait3A_87 = arith.constant 0 : i32
      %dma_wait3A_88 = arith.constant 0 : i32
      %dma_wait3A_89 = tpu.memref_slice %arg2[%dma_wait3A_87, %dma_wait3A_88] : memref<100000x64xf32, #tpu.memory_space<hbm>> -> memref<100000x64xf32, #tpu.memory_space<hbm>>
      tpu.wait_indirect_dma semaphore(%arg8 : memref<!tpu.dma_semaphore, #tpu.memory_space<semaphore_mem>>) src(%dma_wait3A_89 : memref<100000x64xf32, #tpu.memory_space<hbm>>) dst(%arg6 : memref<64x64xf32, #tpu.memory_space<vmem>>)
      %mul3A_90 = arith.constant 64 : i32
      %mul3A_91 = arith.muli %mul3A_75, %mul3A_90 : i32
      %add3A_92 = arith.addi %mul3A_2, %mul3A_91 : i32
      %rem3A_93 = arith.constant 1024 : i32
      %rem3A_94 = arith.remsi %add3A_92, %rem3A_93 : i32
      %jit3A_95 = arith.constant 1024 : i32
      %div3A_96 = arith.divsi %add3A_92, %jit3A_95 : i32
      %sign3A_97 = arith.constant 0 : i32
      %sign3A_98 = arith.cmpi sgt, %add3A_92, %sign3A_97 : i32
      %sign3A_99 = arith.extui %sign3A_98 : i1 to i32
      %sign3A_100 = arith.constant 0 : i32
      %sign3A_101 = arith.cmpi slt, %add3A_92, %sign3A_100 : i32
      %sign3A_102 = arith.extui %sign3A_101 : i1 to i32
      %sign3A_103 = arith.subi %sign3A_99, %sign3A_102 : i32
      %sign3A_104 = arith.constant 0 : i32
      %sign3A_105 = arith.cmpi sgt, %jit3A_95, %sign3A_104 : i32
      %sign3A_106 = arith.extui %sign3A_105 : i1 to i32
      %sign3A_107 = arith.constant 0 : i32
      %sign3A_108 = arith.cmpi slt, %jit3A_95, %sign3A_107 : i32
      %sign3A_109 = arith.extui %sign3A_108 : i1 to i32
      %sign3A_110 = arith.subi %sign3A_106, %sign3A_109 : i32
      %ne3A_111 = arith.cmpi ne, %sign3A_103, %sign3A_110 : i32
      %rem3A_112 = arith.remsi %add3A_92, %jit3A_95 : i32
      %ne3A_113 = arith.constant 0 : i32
      %ne3A_114 = arith.cmpi ne, %rem3A_112, %ne3A_113 : i32
      %and3A_115 = arith.andi %ne3A_111, %ne3A_114 : i1
      %sub3A_116 = arith.constant 1 : i32
      %sub3A_117 = arith.subi %div3A_96, %sub3A_116 : i32
      %select_n3A_118 = arith.select %and3A_115, %sub3A_117, %div3A_96 : i32
      %mul3A_119 = arith.constant 512 : i32
      %mul3A_120 = arith.muli %select_n3A_118, %mul3A_119 : i32
      %rem3A_121 = arith.constant 512 : i32
      %rem3A_122 = arith.remsi %rem3A_94, %rem3A_121 : i32
      %add3A_123 = arith.addi %mul3A_120, %rem3A_122 : i32
      %jit3A_124 = arith.constant 512 : i32
      %div3A_125 = arith.divsi %rem3A_94, %jit3A_124 : i32
      %sign3A_126 = arith.constant 0 : i32
      %sign3A_127 = arith.cmpi sgt, %rem3A_94, %sign3A_126 : i32
      %sign3A_128 = arith.extui %sign3A_127 : i1 to i32
      %sign3A_129 = arith.constant 0 : i32
      %sign3A_130 = arith.cmpi slt, %rem3A_94, %sign3A_129 : i32
      %sign3A_131 = arith.extui %sign3A_130 : i1 to i32
      %sign3A_132 = arith.subi %sign3A_128, %sign3A_131 : i32
      %sign3A_133 = arith.constant 0 : i32
      %sign3A_134 = arith.cmpi sgt, %jit3A_124, %sign3A_133 : i32
      %sign3A_135 = arith.extui %sign3A_134 : i1 to i32
      %sign3A_136 = arith.constant 0 : i32
      %sign3A_137 = arith.cmpi slt, %jit3A_124, %sign3A_136 : i32
      %sign3A_138 = arith.extui %sign3A_137 : i1 to i32
      %sign3A_139 = arith.subi %sign3A_135, %sign3A_138 : i32
      %ne3A_140 = arith.cmpi ne, %sign3A_132, %sign3A_139 : i32
      %rem3A_141 = arith.remsi %rem3A_94, %jit3A_124 : i32
      %ne3A_142 = arith.constant 0 : i32
      %ne3A_143 = arith.cmpi ne, %rem3A_141, %ne3A_142 : i32
      %and3A_144 = arith.andi %ne3A_140, %ne3A_143 : i1
      %sub3A_145 = arith.constant 1 : i32
      %sub3A_146 = arith.subi %div3A_125, %sub3A_145 : i32
      %select_n3A_147 = arith.select %and3A_144, %sub3A_146, %div3A_125 : i32
      %mul3A_148 = arith.constant 64 : i32
      %mul3A_149 = arith.muli %select_n3A_147, %mul3A_148 : i32
      "tpu.region"() ({
        %run_scoped3A = tpu.sem_alloc : memref<!tpu.dma_semaphore, #tpu.memory_space<semaphore_mem>>
        %dma_start3A_227 = tpu.memref_slice %arg4[%add3A_123, %mul3A_149] : memref<17408x128xf32, #tpu.memory_space<hbm>> -> memref<64x64xf32, #tpu.memory_space<hbm>>
        %dma_start3A_228 = tpu.memref_slice %arg4[%add3A_123, %mul3A_149] : memref<17408x128xf32, #tpu.memory_space<hbm>> -> memref<64x64xf32, #tpu.memory_space<hbm>>
        tpu.enqueue_dma source(%arg6 : memref<64x64xf32, #tpu.memory_space<vmem>>) target(%dma_start3A_228 : memref<64x64xf32, #tpu.memory_space<hbm>>) target_semaphore(%run_scoped3A : memref<!tpu.dma_semaphore, #tpu.memory_space<semaphore_mem>>)
        %dma_wait3A_229 = tpu.memref_slice %arg4[%add3A_123, %mul3A_149] : memref<17408x128xf32, #tpu.memory_space<hbm>> -> memref<64x64xf32, #tpu.memory_space<hbm>>
        %dma_wait3A_230 = tpu.memref_slice %arg4[%add3A_123, %mul3A_149] : memref<17408x128xf32, #tpu.memory_space<hbm>> -> memref<64x64xf32, #tpu.memory_space<hbm>>
        tpu.wait_dma2 semaphore(%run_scoped3A : memref<!tpu.dma_semaphore, #tpu.memory_space<semaphore_mem>>) src(%arg6 : memref<64x64xf32, #tpu.memory_space<vmem>>) dst(%dma_wait3A_230 : memref<64x64xf32, #tpu.memory_space<hbm>>)
        tpu.yield
      }) : () -> ()
      %add3A_150 = arith.constant 2 : i32
      %add3A_151 = arith.addi %mul3A_75, %add3A_150 : i32
      %dma_start3A_152 = arith.constant 0 : i32
      %dma_start3A_153 = tpu.memref_slice %arg5[%add3A_151, %dma_start3A_152] : memref<17x64xi32, #tpu.memory_space<vmem>> -> memref<1x64xi32, #tpu.memory_space<vmem>>
      %dma_start3A_154 = tpu.memref_squeeze %dma_start3A_153 : memref<1x64xi32, #tpu.memory_space<vmem>> -> memref<64xi32, #tpu.memory_space<vmem>>
      %dma_start3A_155 = arith.constant 0 : i32
      %dma_start3A_156 = arith.constant 0 : i32
      %dma_start3A_157 = tpu.memref_slice %arg2[%dma_start3A_155, %dma_start3A_156] : memref<100000x64xf32, #tpu.memory_space<hbm>> -> memref<100000x64xf32, #tpu.memory_space<hbm>>
      tpu.enqueue_indirect_dma source(%dma_start3A_157 : memref<100000x64xf32, #tpu.memory_space<hbm>>) target(%arg6 : memref<64x64xf32, #tpu.memory_space<vmem>>) offsets(%dma_start3A_154 : memref<64xi32, #tpu.memory_space<vmem>>) semaphore(%arg8 : memref<!tpu.dma_semaphore, #tpu.memory_space<semaphore_mem>>)
      %add3A_158 = arith.constant 1 : i32
      %add3A_159 = arith.addi %mul3A_75, %add3A_158 : i32
      %dma_wait3A_160 = arith.constant 0 : i32
      %dma_wait3A_161 = tpu.memref_slice %arg5[%add3A_159, %dma_wait3A_160] : memref<17x64xi32, #tpu.memory_space<vmem>> -> memref<1x64xi32, #tpu.memory_space<vmem>>
      %dma_wait3A_162 = tpu.memref_squeeze %dma_wait3A_161 : memref<1x64xi32, #tpu.memory_space<vmem>> -> memref<64xi32, #tpu.memory_space<vmem>>
      %dma_wait3A_163 = arith.constant 0 : i32
      %dma_wait3A_164 = arith.constant 0 : i32
      %dma_wait3A_165 = tpu.memref_slice %arg2[%dma_wait3A_163, %dma_wait3A_164] : memref<100000x64xf32, #tpu.memory_space<hbm>> -> memref<100000x64xf32, #tpu.memory_space<hbm>>
      tpu.wait_indirect_dma semaphore(%arg9 : memref<!tpu.dma_semaphore, #tpu.memory_space<semaphore_mem>>) src(%dma_wait3A_165 : memref<100000x64xf32, #tpu.memory_space<hbm>>) dst(%arg7 : memref<64x64xf32, #tpu.memory_space<vmem>>)
      %mul3A_166 = arith.constant 64 : i32
      %mul3A_167 = arith.muli %add3A_159, %mul3A_166 : i32
      %add3A_168 = arith.addi %mul3A_2, %mul3A_167 : i32
      %rem3A_169 = arith.constant 1024 : i32
      %rem3A_170 = arith.remsi %add3A_168, %rem3A_169 : i32
      %jit3A_171 = arith.constant 1024 : i32
      %div3A_172 = arith.divsi %add3A_168, %jit3A_171 : i32
      %sign3A_173 = arith.constant 0 : i32
      %sign3A_174 = arith.cmpi sgt, %add3A_168, %sign3A_173 : i32
      %sign3A_175 = arith.extui %sign3A_174 : i1 to i32
      %sign3A_176 = arith.constant 0 : i32
      %sign3A_177 = arith.cmpi slt, %add3A_168, %sign3A_176 : i32
      %sign3A_178 = arith.extui %sign3A_177 : i1 to i32
      %sign3A_179 = arith.subi %sign3A_175, %sign3A_178 : i32
      %sign3A_180 = arith.constant 0 : i32
      %sign3A_181 = arith.cmpi sgt, %jit3A_171, %sign3A_180 : i32
      %sign3A_182 = arith.extui %sign3A_181 : i1 to i32
      %sign3A_183 = arith.constant 0 : i32
      %sign3A_184 = arith.cmpi slt, %jit3A_171, %sign3A_183 : i32
      %sign3A_185 = arith.extui %sign3A_184 : i1 to i32
      %sign3A_186 = arith.subi %sign3A_182, %sign3A_185 : i32
      %ne3A_187 = arith.cmpi ne, %sign3A_179, %sign3A_186 : i32
      %rem3A_188 = arith.remsi %add3A_168, %jit3A_171 : i32
      %ne3A_189 = arith.constant 0 : i32
      %ne3A_190 = arith.cmpi ne, %rem3A_188, %ne3A_189 : i32
      %and3A_191 = arith.andi %ne3A_187, %ne3A_190 : i1
      %sub3A_192 = arith.constant 1 : i32
      %sub3A_193 = arith.subi %div3A_172, %sub3A_192 : i32
      %select_n3A_194 = arith.select %and3A_191, %sub3A_193, %div3A_172 : i32
      %mul3A_195 = arith.constant 512 : i32
      %mul3A_196 = arith.muli %select_n3A_194, %mul3A_195 : i32
      %rem3A_197 = arith.constant 512 : i32
      %rem3A_198 = arith.remsi %rem3A_170, %rem3A_197 : i32
      %add3A_199 = arith.addi %mul3A_196, %rem3A_198 : i32
      %jit3A_200 = arith.constant 512 : i32
      %div3A_201 = arith.divsi %rem3A_170, %jit3A_200 : i32
      %sign3A_202 = arith.constant 0 : i32
      %sign3A_203 = arith.cmpi sgt, %rem3A_170, %sign3A_202 : i32
      %sign3A_204 = arith.extui %sign3A_203 : i1 to i32
      %sign3A_205 = arith.constant 0 : i32
      %sign3A_206 = arith.cmpi slt, %rem3A_170, %sign3A_205 : i32
      %sign3A_207 = arith.extui %sign3A_206 : i1 to i32
      %sign3A_208 = arith.subi %sign3A_204, %sign3A_207 : i32
      %sign3A_209 = arith.constant 0 : i32
      %sign3A_210 = arith.cmpi sgt, %jit3A_200, %sign3A_209 : i32
      %sign3A_211 = arith.extui %sign3A_210 : i1 to i32
      %sign3A_212 = arith.constant 0 : i32
      %sign3A_213 = arith.cmpi slt, %jit3A_200, %sign3A_212 : i32
      %sign3A_214 = arith.extui %sign3A_213 : i1 to i32
      %sign3A_215 = arith.subi %sign3A_211, %sign3A_214 : i32
      %ne3A_216 = arith.cmpi ne, %sign3A_208, %sign3A_215 : i32
      %rem3A_217 = arith.remsi %rem3A_170, %jit3A_200 : i32
      %ne3A_218 = arith.constant 0 : i32
      %ne3A_219 = arith.cmpi ne, %rem3A_217, %ne3A_218 : i32
      %and3A_220 = arith.andi %ne3A_216, %ne3A_219 : i1
      %sub3A_221 = arith.constant 1 : i32
      %sub3A_222 = arith.subi %div3A_201, %sub3A_221 : i32
      %select_n3A_223 = arith.select %and3A_220, %sub3A_222, %div3A_201 : i32
      %mul3A_224 = arith.constant 64 : i32
      %mul3A_225 = arith.muli %select_n3A_223, %mul3A_224 : i32
      "tpu.region"() ({
        %run_scoped3A = tpu.sem_alloc : memref<!tpu.dma_semaphore, #tpu.memory_space<semaphore_mem>>
        %dma_start3A_227 = tpu.memref_slice %arg4[%add3A_199, %mul3A_225] : memref<17408x128xf32, #tpu.memory_space<hbm>> -> memref<64x64xf32, #tpu.memory_space<hbm>>
        %dma_start3A_228 = tpu.memref_slice %arg4[%add3A_199, %mul3A_225] : memref<17408x128xf32, #tpu.memory_space<hbm>> -> memref<64x64xf32, #tpu.memory_space<hbm>>
        tpu.enqueue_dma source(%arg7 : memref<64x64xf32, #tpu.memory_space<vmem>>) target(%dma_start3A_228 : memref<64x64xf32, #tpu.memory_space<hbm>>) target_semaphore(%run_scoped3A : memref<!tpu.dma_semaphore, #tpu.memory_space<semaphore_mem>>)
        %dma_wait3A_229 = tpu.memref_slice %arg4[%add3A_199, %mul3A_225] : memref<17408x128xf32, #tpu.memory_space<hbm>> -> memref<64x64xf32, #tpu.memory_space<hbm>>
        %dma_wait3A_230 = tpu.memref_slice %arg4[%add3A_199, %mul3A_225] : memref<17408x128xf32, #tpu.memory_space<hbm>> -> memref<64x64xf32, #tpu.memory_space<hbm>>
        tpu.wait_dma2 semaphore(%run_scoped3A : memref<!tpu.dma_semaphore, #tpu.memory_space<semaphore_mem>>) src(%arg7 : memref<64x64xf32, #tpu.memory_space<vmem>>) dst(%dma_wait3A_230 : memref<64x64xf32, #tpu.memory_space<hbm>>)
        tpu.yield
      }) : () -> ()
      %scan3A_226 = arith.constant 0 : i32
      scf.yield %scan3A_226 : i32
    }
    %scan3A_14 = arith.constant 8 : i32
    %dma_wait3A = arith.constant 16 : i32
    %dma_wait3A_15 = arith.constant 0 : i32
    %dma_wait3A_16 = tpu.memref_slice %arg5[%dma_wait3A, %dma_wait3A_15] : memref<17x64xi32, #tpu.memory_space<vmem>> -> memref<1x64xi32, #tpu.memory_space<vmem>>
    %dma_wait3A_17 = tpu.memref_squeeze %dma_wait3A_16 : memref<1x64xi32, #tpu.memory_space<vmem>> -> memref<64xi32, #tpu.memory_space<vmem>>
    %dma_wait3A_18 = arith.constant 0 : i32
    %dma_wait3A_19 = arith.constant 0 : i32
    %dma_wait3A_20 = tpu.memref_slice %arg2[%dma_wait3A_18, %dma_wait3A_19] : memref<100000x64xf32, #tpu.memory_space<hbm>> -> memref<100000x64xf32, #tpu.memory_space<hbm>>
    tpu.wait_indirect_dma semaphore(%arg8 : memref<!tpu.dma_semaphore, #tpu.memory_space<semaphore_mem>>) src(%dma_wait3A_20 : memref<100000x64xf32, #tpu.memory_space<hbm>>) dst(%arg6 : memref<64x64xf32, #tpu.memory_space<vmem>>)
    %add3A_21 = arith.constant 1024 : i32
    %add3A_22 = arith.addi %mul3A_2, %add3A_21 : i32
    %rem3A = arith.constant 1024 : i32
    %rem3A_23 = arith.remsi %add3A_22, %rem3A : i32
    %jit3A = arith.constant 1024 : i32
    %div3A = arith.divsi %add3A_22, %jit3A : i32
    %sign3A = arith.constant 0 : i32
    %sign3A_24 = arith.cmpi sgt, %add3A_22, %sign3A : i32
    %sign3A_25 = arith.extui %sign3A_24 : i1 to i32
    %sign3A_26 = arith.constant 0 : i32
    %sign3A_27 = arith.cmpi slt, %add3A_22, %sign3A_26 : i32
    %sign3A_28 = arith.extui %sign3A_27 : i1 to i32
    %sign3A_29 = arith.subi %sign3A_25, %sign3A_28 : i32
    %sign3A_30 = arith.constant 0 : i32
    %sign3A_31 = arith.cmpi sgt, %jit3A, %sign3A_30 : i32
    %sign3A_32 = arith.extui %sign3A_31 : i1 to i32
    %sign3A_33 = arith.constant 0 : i32
    %sign3A_34 = arith.cmpi slt, %jit3A, %sign3A_33 : i32
    %sign3A_35 = arith.extui %sign3A_34 : i1 to i32
    %sign3A_36 = arith.subi %sign3A_32, %sign3A_35 : i32
    %ne3A = arith.cmpi ne, %sign3A_29, %sign3A_36 : i32
    %rem3A_37 = arith.remsi %add3A_22, %jit3A : i32
    %ne3A_38 = arith.constant 0 : i32
    %ne3A_39 = arith.cmpi ne, %rem3A_37, %ne3A_38 : i32
    %and3A = arith.andi %ne3A, %ne3A_39 : i1
    %sub3A = arith.constant 1 : i32
    %sub3A_40 = arith.subi %div3A, %sub3A : i32
    %select_n3A = arith.select %and3A, %sub3A_40, %div3A : i32
    %mul3A_41 = arith.constant 512 : i32
    %mul3A_42 = arith.muli %select_n3A, %mul3A_41 : i32
    %rem3A_43 = arith.constant 512 : i32
    %rem3A_44 = arith.remsi %rem3A_23, %rem3A_43 : i32
    %add3A_45 = arith.addi %mul3A_42, %rem3A_44 : i32
    %jit3A_46 = arith.constant 512 : i32
    %div3A_47 = arith.divsi %rem3A_23, %jit3A_46 : i32
    %sign3A_48 = arith.constant 0 : i32
    %sign3A_49 = arith.cmpi sgt, %rem3A_23, %sign3A_48 : i32
    %sign3A_50 = arith.extui %sign3A_49 : i1 to i32
    %sign3A_51 = arith.constant 0 : i32
    %sign3A_52 = arith.cmpi slt, %rem3A_23, %sign3A_51 : i32
    %sign3A_53 = arith.extui %sign3A_52 : i1 to i32
    %sign3A_54 = arith.subi %sign3A_50, %sign3A_53 : i32
    %sign3A_55 = arith.constant 0 : i32
    %sign3A_56 = arith.cmpi sgt, %jit3A_46, %sign3A_55 : i32
    %sign3A_57 = arith.extui %sign3A_56 : i1 to i32
    %sign3A_58 = arith.constant 0 : i32
    %sign3A_59 = arith.cmpi slt, %jit3A_46, %sign3A_58 : i32
    %sign3A_60 = arith.extui %sign3A_59 : i1 to i32
    %sign3A_61 = arith.subi %sign3A_57, %sign3A_60 : i32
    %ne3A_62 = arith.cmpi ne, %sign3A_54, %sign3A_61 : i32
    %rem3A_63 = arith.remsi %rem3A_23, %jit3A_46 : i32
    %ne3A_64 = arith.constant 0 : i32
    %ne3A_65 = arith.cmpi ne, %rem3A_63, %ne3A_64 : i32
    %and3A_66 = arith.andi %ne3A_62, %ne3A_65 : i1
    %sub3A_67 = arith.constant 1 : i32
    %sub3A_68 = arith.subi %div3A_47, %sub3A_67 : i32
    %select_n3A_69 = arith.select %and3A_66, %sub3A_68, %div3A_47 : i32
    %mul3A_70 = arith.constant 64 : i32
    %mul3A_71 = arith.muli %select_n3A_69, %mul3A_70 : i32
    "tpu.region"() ({
      %run_scoped3A = tpu.sem_alloc : memref<!tpu.dma_semaphore, #tpu.memory_space<semaphore_mem>>
      %dma_start3A_72 = tpu.memref_slice %arg4[%add3A_45, %mul3A_71] : memref<17408x128xf32, #tpu.memory_space<hbm>> -> memref<64x64xf32, #tpu.memory_space<hbm>>
      %dma_start3A_73 = tpu.memref_slice %arg4[%add3A_45, %mul3A_71] : memref<17408x128xf32, #tpu.memory_space<hbm>> -> memref<64x64xf32, #tpu.memory_space<hbm>>
      tpu.enqueue_dma source(%arg6 : memref<64x64xf32, #tpu.memory_space<vmem>>) target(%dma_start3A_73 : memref<64x64xf32, #tpu.memory_space<hbm>>) target_semaphore(%run_scoped3A : memref<!tpu.dma_semaphore, #tpu.memory_space<semaphore_mem>>)
      %dma_wait3A_74 = tpu.memref_slice %arg4[%add3A_45, %mul3A_71] : memref<17408x128xf32, #tpu.memory_space<hbm>> -> memref<64x64xf32, #tpu.memory_space<hbm>>
      %dma_wait3A_75 = tpu.memref_slice %arg4[%add3A_45, %mul3A_71] : memref<17408x128xf32, #tpu.memory_space<hbm>> -> memref<64x64xf32, #tpu.memory_space<hbm>>
      tpu.wait_dma2 semaphore(%run_scoped3A : memref<!tpu.dma_semaphore, #tpu.memory_space<semaphore_mem>>) src(%arg6 : memref<64x64xf32, #tpu.memory_space<vmem>>) dst(%dma_wait3A_75 : memref<64x64xf32, #tpu.memory_space<hbm>>)
      tpu.yield
    }) : () -> ()
    return
  }
}

module attributes {stable_mosaic.version = 14 : i64} {
  func.func @_lstm_body(%arg0: i32, %arg1: memref<1x512x128xf32, #tpu.memory_space<vmem>>, %arg2: memref<1x512x128xf32, #tpu.memory_space<vmem>>, %arg3: memref<64x1024xf32, #tpu.memory_space<vmem>>, %arg4: memref<64x1024xf32, #tpu.memory_space<vmem>>, %arg5: memref<256x64xf32, #tpu.memory_space<vmem>>, %arg6: memref<256x64xf32, #tpu.memory_space<vmem>>, %arg7: memref<256x1xf32, #tpu.memory_space<vmem>>, %arg8: memref<1x64x1024xf32, #tpu.memory_space<vmem>>, %arg9: memref<64x1024xf32, #tpu.memory_space<vmem>>, %arg10: memref<64x1024xf32, #tpu.memory_space<vmem>>, %arg11: memref<64x1024xf32, #tpu.memory_space<vmem>>, %arg12: memref<64x1024xf32, #tpu.memory_space<vmem>>, %arg13: memref<256x1024xf32, #tpu.memory_space<vmem>>) attributes {dimension_semantics = [#tpu.dimension_semantics<arbitrary>], iteration_bounds = array<i64: 16>, scalar_prefetch = 0 : i64, scratch_operands = 3 : i64, tpu.core_type = #tpu.core_type<tc>, window_params = [{transform_indices = @transform_0, window_bounds = array<i64: 1, 512, 128>}, {transform_indices = @transform_1, window_bounds = array<i64: 1, 512, 128>}, {pipeline_mode = #tpu.pipeline_mode<synchronous>, transform_indices = @transform_2, window_bounds = array<i64: 64, 1024>}, {pipeline_mode = #tpu.pipeline_mode<synchronous>, transform_indices = @transform_3, window_bounds = array<i64: 64, 1024>}, {pipeline_mode = #tpu.pipeline_mode<synchronous>, transform_indices = @transform_4, window_bounds = array<i64: 256, 64>}, {pipeline_mode = #tpu.pipeline_mode<synchronous>, transform_indices = @transform_5, window_bounds = array<i64: 256, 64>}, {pipeline_mode = #tpu.pipeline_mode<synchronous>, transform_indices = @transform_6, window_bounds = array<i64: 256, 1>}, {transform_indices = @transform_7, window_bounds = array<i64: 1, 64, 1024>}, {pipeline_mode = #tpu.pipeline_mode<synchronous>, transform_indices = @transform_8, window_bounds = array<i64: 64, 1024>}, {pipeline_mode = #tpu.pipeline_mode<synchronous>, transform_indices = @transform_9, window_bounds = array<i64: 64, 1024>}]} {
    %get3A = arith.constant 0 : index
    %get3A_0 = arith.constant 0 : index
    %get3A_1 = vector.load %arg5[%get3A, %get3A_0] : memref<256x64xf32, #tpu.memory_space<vmem>>, vector<256x64xf32>
    %eq3A = arith.constant 0 : i32
    %eq3A_2 = arith.cmpi eq, %arg0, %eq3A : i32
    %convert_element_type3A = arith.extui %eq3A_2 : i1 to i32
    %cond3A = arith.constant 0 : i32
    %cond3A_3 = arith.cmpi ne, %convert_element_type3A, %cond3A : i32
    scf.if %cond3A_3 {
      %get3A_76 = arith.constant 0 : index
      %get3A_77 = arith.constant 0 : index
      %get3A_78 = vector.load %arg3[%get3A_76, %get3A_77] : memref<64x1024xf32, #tpu.memory_space<vmem>>, vector<64x1024xf32>
      %swap3A_79 = arith.constant 0 : index
      %swap3A_80 = arith.constant 0 : index
      %swap3A_81 = vector.load %arg11[%swap3A_79, %swap3A_80] : memref<64x1024xf32, #tpu.memory_space<vmem>>, vector<64x1024xf32>
      tpu.vector_store %arg11[%swap3A_79, %swap3A_80], %get3A_78 {strides = array<i32>} : memref<64x1024xf32, #tpu.memory_space<vmem>>, vector<64x1024xf32>,
      %get3A_82 = arith.constant 0 : index
      %get3A_83 = arith.constant 0 : index
      %get3A_84 = vector.load %arg4[%get3A_82, %get3A_83] : memref<64x1024xf32, #tpu.memory_space<vmem>>, vector<64x1024xf32>
      %swap3A_85 = arith.constant 0 : index
      %swap3A_86 = arith.constant 0 : index
      %swap3A_87 = vector.load %arg12[%swap3A_85, %swap3A_86] : memref<64x1024xf32, #tpu.memory_space<vmem>>, vector<64x1024xf32>
      tpu.vector_store %arg12[%swap3A_85, %swap3A_86], %get3A_84 {strides = array<i32>} : memref<64x1024xf32, #tpu.memory_space<vmem>>, vector<64x1024xf32>,
      %get3A_88 = arith.constant 0 : index
      %get3A_89 = arith.constant 0 : index
      %get3A_90 = arith.constant 0 : index
      %get3A_91 = vector.load %arg1[%get3A_88, %get3A_89, %get3A_90] : memref<1x512x128xf32, #tpu.memory_space<vmem>>, vector<1x512x128xf32>
      %get3A_92 = vector.shape_cast %get3A_91 : vector<1x512x128xf32> to vector<512x128xf32>
      %slice3A_93 = vector.extract_strided_slice %get3A_92 {offsets = [0, 0], sizes = [512, 64], strides = [1, 1]} : vector<512x128xf32> to vector<512x64xf32>
      %slice3A_94 = vector.extract_strided_slice %get3A_92 {offsets = [0, 64], sizes = [512, 64], strides = [1, 1]} : vector<512x128xf32> to vector<512x64xf32>
      %dot_general3A_95 = arith.constant dense<0.000000e+00> : vector<256x512xf32>
      %dot_general3A_96 = tpu.matmul %get3A_1, %slice3A_93, %dot_general3A_95 {dimension_numbers = #tpu.dot_dimension_numbers<[1], [1], [0], [0], [0, 0, 1, 0], [], []>, transpose_lhs_hint = false} : vector<256x64xf32>, vector<512x64xf32>, vector<256x512xf32> -> vector<256x512xf32>
      %dot_general3A_97 = arith.constant dense<0.000000e+00> : vector<256x512xf32>
      %dot_general3A_98 = tpu.matmul %get3A_1, %slice3A_94, %dot_general3A_97 {dimension_numbers = #tpu.dot_dimension_numbers<[1], [1], [0], [0], [0, 0, 1, 0], [], []>, transpose_lhs_hint = false} : vector<256x64xf32>, vector<512x64xf32>, vector<256x512xf32> -> vector<256x512xf32>
      %concatenate3A_99 = tpu.concatenate %dot_general3A_96, %dot_general3A_98 in 1 : vector<256x512xf32>, vector<256x512xf32> -> vector<256x1024xf32>
      %swap3A_100 = arith.constant 0 : index
      %swap3A_101 = arith.constant 0 : index
      %swap3A_102 = vector.load %arg13[%swap3A_100, %swap3A_101] : memref<256x1024xf32, #tpu.memory_space<vmem>>, vector<256x1024xf32>
      tpu.vector_store %arg13[%swap3A_100, %swap3A_101], %concatenate3A_99 {strides = array<i32>} : memref<256x1024xf32, #tpu.memory_space<vmem>>, vector<256x1024xf32>,
    } else {
    }
    %get3A_4 = arith.constant 0 : index
    %get3A_5 = arith.constant 0 : index
    %get3A_6 = vector.load %arg11[%get3A_4, %get3A_5] : memref<64x1024xf32, #tpu.memory_space<vmem>>, vector<64x1024xf32>
    %get3A_7 = arith.constant 0 : index
    %get3A_8 = arith.constant 0 : index
    %get3A_9 = vector.load %arg13[%get3A_7, %get3A_8] : memref<256x1024xf32, #tpu.memory_space<vmem>>, vector<256x1024xf32>
    %get3A_10 = arith.constant 0 : index
    %get3A_11 = arith.constant 0 : index
    %get3A_12 = vector.load %arg6[%get3A_10, %get3A_11] : memref<256x64xf32, #tpu.memory_space<vmem>>, vector<256x64xf32>
    %dot_general3A = arith.constant dense<0.000000e+00> : vector<256x1024xf32>
    %dot_general3A_13 = tpu.matmul %get3A_12, %get3A_6, %dot_general3A {dimension_numbers = #tpu.dot_dimension_numbers<[1], [0], [0], [1], [0, 0, 1, 1], [], []>, transpose_lhs_hint = false} : vector<256x64xf32>, vector<64x1024xf32>, vector<256x1024xf32> -> vector<256x1024xf32>
    %add3A = arith.addf %get3A_9, %dot_general3A_13 : vector<256x1024xf32>
    %get3A_14 = arith.constant 0 : index
    %get3A_15 = arith.constant 0 : index
    %get3A_16 = vector.load %arg7[%get3A_14, %get3A_15] : memref<256x1xf32, #tpu.memory_space<vmem>>, vector<256x1xf32>
    %add3A_17 = vector.broadcast %get3A_16 : vector<256x1xf32> to vector<256x1024xf32>
    %add3A_18 = arith.addf %add3A, %add3A_17 : vector<256x1024xf32>
    %get3A_19 = arith.constant 0 : index
    %get3A_20 = arith.constant 0 : index
    %get3A_21 = arith.constant 0 : index
    %get3A_22 = vector.load %arg2[%get3A_19, %get3A_20, %get3A_21] : memref<1x512x128xf32, #tpu.memory_space<vmem>>, vector<1x512x128xf32>
    %get3A_23 = vector.shape_cast %get3A_22 : vector<1x512x128xf32> to vector<512x128xf32>
    %slice3A = vector.extract_strided_slice %get3A_23 {offsets = [0, 0], sizes = [512, 64], strides = [1, 1]} : vector<512x128xf32> to vector<512x64xf32>
    %slice3A_24 = vector.extract_strided_slice %get3A_23 {offsets = [0, 64], sizes = [512, 64], strides = [1, 1]} : vector<512x128xf32> to vector<512x64xf32>
    %dot_general3A_25 = arith.constant dense<0.000000e+00> : vector<256x512xf32>
    %dot_general3A_26 = tpu.matmul %get3A_1, %slice3A, %dot_general3A_25 {dimension_numbers = #tpu.dot_dimension_numbers<[1], [1], [0], [0], [0, 0, 1, 0], [], []>, transpose_lhs_hint = false} : vector<256x64xf32>, vector<512x64xf32>, vector<256x512xf32> -> vector<256x512xf32>
    %dot_general3A_27 = arith.constant dense<0.000000e+00> : vector<256x512xf32>
    %dot_general3A_28 = tpu.matmul %get3A_1, %slice3A_24, %dot_general3A_27 {dimension_numbers = #tpu.dot_dimension_numbers<[1], [1], [0], [0], [0, 0, 1, 0], [], []>, transpose_lhs_hint = false} : vector<256x64xf32>, vector<512x64xf32>, vector<256x512xf32> -> vector<256x512xf32>
    %concatenate3A = tpu.concatenate %dot_general3A_26, %dot_general3A_28 in 1 : vector<256x512xf32>, vector<256x512xf32> -> vector<256x1024xf32>
    %swap3A = arith.constant 0 : index
    %swap3A_29 = arith.constant 0 : index
    %swap3A_30 = vector.load %arg13[%swap3A, %swap3A_29] : memref<256x1024xf32, #tpu.memory_space<vmem>>, vector<256x1024xf32>
    tpu.vector_store %arg13[%swap3A, %swap3A_29], %concatenate3A {strides = array<i32>} : memref<256x1024xf32, #tpu.memory_space<vmem>>, vector<256x1024xf32>,
    %slice3A_31 = vector.extract_strided_slice %add3A_18 {offsets = [0, 0], sizes = [64, 1024], strides = [1, 1]} : vector<256x1024xf32> to vector<64x1024xf32>
    %logistic3A = arith.negf %slice3A_31 : vector<64x1024xf32>
    %logistic3A_32 = math.exp %logistic3A : vector<64x1024xf32>
    %logistic3A_33 = arith.constant 1.000000e+00 : f32
    %logistic3A_34 = vector.broadcast %logistic3A_33 : f32 to vector<64x1024xf32>
    %logistic3A_35 = arith.addf %logistic3A_34, %logistic3A_32 : vector<64x1024xf32>
    %logistic3A_36 = arith.divf %logistic3A_34, %logistic3A_35 : vector<64x1024xf32>
    %slice3A_37 = vector.extract_strided_slice %add3A_18 {offsets = [64, 0], sizes = [64, 1024], strides = [1, 1]} : vector<256x1024xf32> to vector<64x1024xf32>
    %logistic3A_38 = arith.negf %slice3A_37 : vector<64x1024xf32>
    %logistic3A_39 = math.exp %logistic3A_38 : vector<64x1024xf32>
    %logistic3A_40 = arith.constant 1.000000e+00 : f32
    %logistic3A_41 = vector.broadcast %logistic3A_40 : f32 to vector<64x1024xf32>
    %logistic3A_42 = arith.addf %logistic3A_41, %logistic3A_39 : vector<64x1024xf32>
    %logistic3A_43 = arith.divf %logistic3A_41, %logistic3A_42 : vector<64x1024xf32>
    %slice3A_44 = vector.extract_strided_slice %add3A_18 {offsets = [128, 0], sizes = [64, 1024], strides = [1, 1]} : vector<256x1024xf32> to vector<64x1024xf32>
    %tanh3A = math.tanh %slice3A_44 : vector<64x1024xf32>
    %slice3A_45 = vector.extract_strided_slice %add3A_18 {offsets = [192, 0], sizes = [64, 1024], strides = [1, 1]} : vector<256x1024xf32> to vector<64x1024xf32>
    %logistic3A_46 = arith.negf %slice3A_45 : vector<64x1024xf32>
    %logistic3A_47 = math.exp %logistic3A_46 : vector<64x1024xf32>
    %logistic3A_48 = arith.constant 1.000000e+00 : f32
    %logistic3A_49 = vector.broadcast %logistic3A_48 : f32 to vector<64x1024xf32>
    %logistic3A_50 = arith.addf %logistic3A_49, %logistic3A_47 : vector<64x1024xf32>
    %logistic3A_51 = arith.divf %logistic3A_49, %logistic3A_50 : vector<64x1024xf32>
    %get3A_52 = arith.constant 0 : index
    %get3A_53 = arith.constant 0 : index
    %get3A_54 = vector.load %arg12[%get3A_52, %get3A_53] : memref<64x1024xf32, #tpu.memory_space<vmem>>, vector<64x1024xf32>
    %mul3A = arith.mulf %logistic3A_43, %get3A_54 : vector<64x1024xf32>
    %mul3A_55 = arith.mulf %logistic3A_36, %tanh3A : vector<64x1024xf32>
    %add3A_56 = arith.addf %mul3A, %mul3A_55 : vector<64x1024xf32>
    %tanh3A_57 = math.tanh %add3A_56 : vector<64x1024xf32>
    %mul3A_58 = arith.mulf %logistic3A_51, %tanh3A_57 : vector<64x1024xf32>
    %swap3A_59 = arith.constant 0 : index
    %swap3A_60 = arith.constant 0 : index
    %swap3A_61 = vector.load %arg11[%swap3A_59, %swap3A_60] : memref<64x1024xf32, #tpu.memory_space<vmem>>, vector<64x1024xf32>
    tpu.vector_store %arg11[%swap3A_59, %swap3A_60], %mul3A_58 {strides = array<i32>} : memref<64x1024xf32, #tpu.memory_space<vmem>>, vector<64x1024xf32>,
    %swap3A_62 = arith.constant 0 : index
    %swap3A_63 = arith.constant 0 : index
    %swap3A_64 = vector.load %arg12[%swap3A_62, %swap3A_63] : memref<64x1024xf32, #tpu.memory_space<vmem>>, vector<64x1024xf32>
    tpu.vector_store %arg12[%swap3A_62, %swap3A_63], %add3A_56 {strides = array<i32>} : memref<64x1024xf32, #tpu.memory_space<vmem>>, vector<64x1024xf32>,
    %swap3A_65 = arith.constant 0 : index
    %swap3A_66 = arith.constant 0 : index
    %swap3A_67 = arith.constant 0 : index
    %swap3A_68 = vector.load %arg8[%swap3A_65, %swap3A_66, %swap3A_67] : memref<1x64x1024xf32, #tpu.memory_space<vmem>>, vector<1x64x1024xf32>
    %swap3A_69 = vector.shape_cast %swap3A_68 : vector<1x64x1024xf32> to vector<64x1024xf32>
    %swap3A_70 = vector.shape_cast %mul3A_58 : vector<64x1024xf32> to vector<1x64x1024xf32>
    tpu.vector_store %arg8[%swap3A_65, %swap3A_66, %swap3A_67], %swap3A_70 {strides = array<i32>} : memref<1x64x1024xf32, #tpu.memory_space<vmem>>, vector<1x64x1024xf32>,
    %eq3A_71 = arith.constant 15 : i32
    %eq3A_72 = arith.cmpi eq, %arg0, %eq3A_71 : i32
    %convert_element_type3A_73 = arith.extui %eq3A_72 : i1 to i32
    %cond3A_74 = arith.constant 0 : i32
    %cond3A_75 = arith.cmpi ne, %convert_element_type3A_73, %cond3A_74 : i32
    scf.if %cond3A_75 {
      %swap3A_76 = arith.constant 0 : index
      %swap3A_77 = arith.constant 0 : index
      %swap3A_78 = vector.load %arg9[%swap3A_76, %swap3A_77] : memref<64x1024xf32, #tpu.memory_space<vmem>>, vector<64x1024xf32>
      tpu.vector_store %arg9[%swap3A_76, %swap3A_77], %mul3A_58 {strides = array<i32>} : memref<64x1024xf32, #tpu.memory_space<vmem>>, vector<64x1024xf32>,
      %swap3A_79 = arith.constant 0 : index
      %swap3A_80 = arith.constant 0 : index
      %swap3A_81 = vector.load %arg10[%swap3A_79, %swap3A_80] : memref<64x1024xf32, #tpu.memory_space<vmem>>, vector<64x1024xf32>
      tpu.vector_store %arg10[%swap3A_79, %swap3A_80], %add3A_56 {strides = array<i32>} : memref<64x1024xf32, #tpu.memory_space<vmem>>, vector<64x1024xf32>,
    } else {
    }
    return
  }
  func.func @transform_0(%arg0: i32) -> (i32, i32, i32) {
    %c0_i32 = arith.constant 0 : i32
    %c0_i32_0 = arith.constant 0 : i32
    %c0_i32_1 = arith.constant 0 : i32
    %c0_i32_2 = arith.constant 0 : i32
    return %c0_i32, %c0_i32_0, %c0_i32_1 : i32, i32, i32
  }
  func.func @transform_1(%arg0: i32) -> (i32, i32, i32) {
    %add3A = arith.constant 1 : i32
    %add3A_0 = arith.addi %arg0, %add3A : i32
    %min3A = arith.constant 15 : i32
    %min3A_1 = arith.minsi %add3A_0, %min3A : i32
    %c0_i32 = arith.constant 0 : i32
    %c0_i32_2 = arith.constant 0 : i32
    %c0_i32_3 = arith.constant 0 : i32
    return %min3A_1, %c0_i32, %c0_i32_2 : i32, i32, i32
  }
  func.func @transform_2(%arg0: i32) -> (i32, i32) {
    %c0_i32 = arith.constant 0 : i32
    %c0_i32_0 = arith.constant 0 : i32
    %c0_i32_1 = arith.constant 0 : i32
    return %c0_i32, %c0_i32_0 : i32, i32
  }
  func.func @transform_3(%arg0: i32) -> (i32, i32) {
    %c0_i32 = arith.constant 0 : i32
    %c0_i32_0 = arith.constant 0 : i32
    %c0_i32_1 = arith.constant 0 : i32
    return %c0_i32, %c0_i32_0 : i32, i32
  }
  func.func @transform_4(%arg0: i32) -> (i32, i32) {
    %c0_i32 = arith.constant 0 : i32
    %c0_i32_0 = arith.constant 0 : i32
    %c0_i32_1 = arith.constant 0 : i32
    return %c0_i32, %c0_i32_0 : i32, i32
  }
  func.func @transform_5(%arg0: i32) -> (i32, i32) {
    %c0_i32 = arith.constant 0 : i32
    %c0_i32_0 = arith.constant 0 : i32
    %c0_i32_1 = arith.constant 0 : i32
    return %c0_i32, %c0_i32_0 : i32, i32
  }
  func.func @transform_6(%arg0: i32) -> (i32, i32) {
    %c0_i32 = arith.constant 0 : i32
    %c0_i32_0 = arith.constant 0 : i32
    %c0_i32_1 = arith.constant 0 : i32
    return %c0_i32, %c0_i32_0 : i32, i32
  }
  func.func @transform_7(%arg0: i32) -> (i32, i32, i32) {
    %add3A = arith.constant 0 : i32
    %add3A_0 = arith.addi %arg0, %add3A : i32
    %c0_i32 = arith.constant 0 : i32
    %c0_i32_1 = arith.constant 0 : i32
    %c0_i32_2 = arith.constant 0 : i32
    return %add3A_0, %c0_i32, %c0_i32_1 : i32, i32, i32
  }
  func.func @transform_8(%arg0: i32) -> (i32, i32) {
    %c0_i32 = arith.constant 0 : i32
    %c0_i32_0 = arith.constant 0 : i32
    %c0_i32_1 = arith.constant 0 : i32
    return %c0_i32, %c0_i32_0 : i32, i32
  }
  func.func @transform_9(%arg0: i32) -> (i32, i32) {
    %c0_i32 = arith.constant 0 : i32
    %c0_i32_0 = arith.constant 0 : i32
    %c0_i32_1 = arith.constant 0 : i32
    return %c0_i32, %c0_i32_0 : i32, i32
  }
}

module attributes {stable_mosaic.version = 14 : i64} {
  func.func @_lstm_body(%arg0: i32, %arg1: memref<1x512x128xf32, #tpu.memory_space<vmem>>, %arg2: memref<1x512x128xf32, #tpu.memory_space<vmem>>, %arg3: memref<64x1024xf32, #tpu.memory_space<vmem>>, %arg4: memref<64x1024xf32, #tpu.memory_space<vmem>>, %arg5: memref<256x64xf32, #tpu.memory_space<vmem>>, %arg6: memref<256x64xf32, #tpu.memory_space<vmem>>, %arg7: memref<256x1xf32, #tpu.memory_space<vmem>>, %arg8: memref<50x64x1024xf32, #tpu.memory_space<any>>, %arg9: memref<1x64x1024xf32, #tpu.memory_space<vmem>>, %arg10: memref<64x1024xf32, #tpu.memory_space<vmem>>, %arg11: memref<64x1024xf32, #tpu.memory_space<vmem>>, %arg12: memref<64x1024xf32, #tpu.memory_space<vmem>>, %arg13: memref<64x1024xf32, #tpu.memory_space<vmem>>, %arg14: memref<256x1024xf32, #tpu.memory_space<vmem>>) attributes {dimension_semantics = [#tpu.dimension_semantics<arbitrary>], iteration_bounds = array<i64: 34>, scalar_prefetch = 0 : i64, scratch_operands = 3 : i64, tpu.core_type = #tpu.core_type<tc>, window_params = [{transform_indices = @transform_0, window_bounds = array<i64: 1, 512, 128>}, {transform_indices = @transform_1, window_bounds = array<i64: 1, 512, 128>}, {pipeline_mode = #tpu.pipeline_mode<synchronous>, transform_indices = @transform_2, window_bounds = array<i64: 64, 1024>}, {pipeline_mode = #tpu.pipeline_mode<synchronous>, transform_indices = @transform_3, window_bounds = array<i64: 64, 1024>}, {pipeline_mode = #tpu.pipeline_mode<synchronous>, transform_indices = @transform_4, window_bounds = array<i64: 256, 64>}, {pipeline_mode = #tpu.pipeline_mode<synchronous>, transform_indices = @transform_5, window_bounds = array<i64: 256, 64>}, {pipeline_mode = #tpu.pipeline_mode<synchronous>, transform_indices = @transform_6, window_bounds = array<i64: 256, 1>}, {}, {transform_indices = @transform_8, window_bounds = array<i64: 1, 64, 1024>}, {pipeline_mode = #tpu.pipeline_mode<synchronous>, transform_indices = @transform_9, window_bounds = array<i64: 64, 1024>}, {pipeline_mode = #tpu.pipeline_mode<synchronous>, transform_indices = @transform_10, window_bounds = array<i64: 64, 1024>}]} {
    %get3A = arith.constant 0 : index
    %get3A_0 = arith.constant 0 : index
    %get3A_1 = vector.load %arg5[%get3A, %get3A_0] : memref<256x64xf32, #tpu.memory_space<vmem>>, vector<256x64xf32>
    %eq3A = arith.constant 0 : i32
    %eq3A_2 = arith.cmpi eq, %arg0, %eq3A : i32
    %convert_element_type3A = arith.extui %eq3A_2 : i1 to i32
    %cond3A = arith.constant 0 : i32
    %cond3A_3 = arith.cmpi ne, %convert_element_type3A, %cond3A : i32
    scf.if %cond3A_3 {
      %get3A_76 = arith.constant 0 : index
      %get3A_77 = arith.constant 0 : index
      %get3A_78 = vector.load %arg3[%get3A_76, %get3A_77] : memref<64x1024xf32, #tpu.memory_space<vmem>>, vector<64x1024xf32>
      %swap3A_79 = arith.constant 0 : index
      %swap3A_80 = arith.constant 0 : index
      %swap3A_81 = vector.load %arg12[%swap3A_79, %swap3A_80] : memref<64x1024xf32, #tpu.memory_space<vmem>>, vector<64x1024xf32>
      tpu.vector_store %arg12[%swap3A_79, %swap3A_80], %get3A_78 {strides = array<i32>} : memref<64x1024xf32, #tpu.memory_space<vmem>>, vector<64x1024xf32>,
      %get3A_82 = arith.constant 0 : index
      %get3A_83 = arith.constant 0 : index
      %get3A_84 = vector.load %arg4[%get3A_82, %get3A_83] : memref<64x1024xf32, #tpu.memory_space<vmem>>, vector<64x1024xf32>
      %swap3A_85 = arith.constant 0 : index
      %swap3A_86 = arith.constant 0 : index
      %swap3A_87 = vector.load %arg13[%swap3A_85, %swap3A_86] : memref<64x1024xf32, #tpu.memory_space<vmem>>, vector<64x1024xf32>
      tpu.vector_store %arg13[%swap3A_85, %swap3A_86], %get3A_84 {strides = array<i32>} : memref<64x1024xf32, #tpu.memory_space<vmem>>, vector<64x1024xf32>,
      %get3A_88 = arith.constant 0 : index
      %get3A_89 = arith.constant 0 : index
      %get3A_90 = arith.constant 0 : index
      %get3A_91 = vector.load %arg1[%get3A_88, %get3A_89, %get3A_90] : memref<1x512x128xf32, #tpu.memory_space<vmem>>, vector<1x512x128xf32>
      %get3A_92 = vector.shape_cast %get3A_91 : vector<1x512x128xf32> to vector<512x128xf32>
      %slice3A_93 = vector.extract_strided_slice %get3A_92 {offsets = [0, 0], sizes = [512, 64], strides = [1, 1]} : vector<512x128xf32> to vector<512x64xf32>
      %slice3A_94 = vector.extract_strided_slice %get3A_92 {offsets = [0, 64], sizes = [512, 64], strides = [1, 1]} : vector<512x128xf32> to vector<512x64xf32>
      %dot_general3A_95 = arith.constant dense<0.000000e+00> : vector<256x512xf32>
      %dot_general3A_96 = tpu.matmul %get3A_1, %slice3A_93, %dot_general3A_95 {dimension_numbers = #tpu.dot_dimension_numbers<[1], [1], [0], [0], [0, 0, 1, 0], [], []>, transpose_lhs_hint = false} : vector<256x64xf32>, vector<512x64xf32>, vector<256x512xf32> -> vector<256x512xf32>
      %dot_general3A_97 = arith.constant dense<0.000000e+00> : vector<256x512xf32>
      %dot_general3A_98 = tpu.matmul %get3A_1, %slice3A_94, %dot_general3A_97 {dimension_numbers = #tpu.dot_dimension_numbers<[1], [1], [0], [0], [0, 0, 1, 0], [], []>, transpose_lhs_hint = false} : vector<256x64xf32>, vector<512x64xf32>, vector<256x512xf32> -> vector<256x512xf32>
      %concatenate3A_99 = tpu.concatenate %dot_general3A_96, %dot_general3A_98 in 1 : vector<256x512xf32>, vector<256x512xf32> -> vector<256x1024xf32>
      %swap3A_100 = arith.constant 0 : index
      %swap3A_101 = arith.constant 0 : index
      %swap3A_102 = vector.load %arg14[%swap3A_100, %swap3A_101] : memref<256x1024xf32, #tpu.memory_space<vmem>>, vector<256x1024xf32>
      tpu.vector_store %arg14[%swap3A_100, %swap3A_101], %concatenate3A_99 {strides = array<i32>} : memref<256x1024xf32, #tpu.memory_space<vmem>>, vector<256x1024xf32>,
    } else {
    }
    %get3A_4 = arith.constant 0 : index
    %get3A_5 = arith.constant 0 : index
    %get3A_6 = vector.load %arg12[%get3A_4, %get3A_5] : memref<64x1024xf32, #tpu.memory_space<vmem>>, vector<64x1024xf32>
    %get3A_7 = arith.constant 0 : index
    %get3A_8 = arith.constant 0 : index
    %get3A_9 = vector.load %arg14[%get3A_7, %get3A_8] : memref<256x1024xf32, #tpu.memory_space<vmem>>, vector<256x1024xf32>
    %get3A_10 = arith.constant 0 : index
    %get3A_11 = arith.constant 0 : index
    %get3A_12 = vector.load %arg6[%get3A_10, %get3A_11] : memref<256x64xf32, #tpu.memory_space<vmem>>, vector<256x64xf32>
    %dot_general3A = arith.constant dense<0.000000e+00> : vector<256x1024xf32>
    %dot_general3A_13 = tpu.matmul %get3A_12, %get3A_6, %dot_general3A {dimension_numbers = #tpu.dot_dimension_numbers<[1], [0], [0], [1], [0, 0, 1, 1], [], []>, transpose_lhs_hint = false} : vector<256x64xf32>, vector<64x1024xf32>, vector<256x1024xf32> -> vector<256x1024xf32>
    %add3A = arith.addf %get3A_9, %dot_general3A_13 : vector<256x1024xf32>
    %get3A_14 = arith.constant 0 : index
    %get3A_15 = arith.constant 0 : index
    %get3A_16 = vector.load %arg7[%get3A_14, %get3A_15] : memref<256x1xf32, #tpu.memory_space<vmem>>, vector<256x1xf32>
    %add3A_17 = vector.broadcast %get3A_16 : vector<256x1xf32> to vector<256x1024xf32>
    %add3A_18 = arith.addf %add3A, %add3A_17 : vector<256x1024xf32>
    %get3A_19 = arith.constant 0 : index
    %get3A_20 = arith.constant 0 : index
    %get3A_21 = arith.constant 0 : index
    %get3A_22 = vector.load %arg2[%get3A_19, %get3A_20, %get3A_21] : memref<1x512x128xf32, #tpu.memory_space<vmem>>, vector<1x512x128xf32>
    %get3A_23 = vector.shape_cast %get3A_22 : vector<1x512x128xf32> to vector<512x128xf32>
    %slice3A = vector.extract_strided_slice %get3A_23 {offsets = [0, 0], sizes = [512, 64], strides = [1, 1]} : vector<512x128xf32> to vector<512x64xf32>
    %slice3A_24 = vector.extract_strided_slice %get3A_23 {offsets = [0, 64], sizes = [512, 64], strides = [1, 1]} : vector<512x128xf32> to vector<512x64xf32>
    %dot_general3A_25 = arith.constant dense<0.000000e+00> : vector<256x512xf32>
    %dot_general3A_26 = tpu.matmul %get3A_1, %slice3A, %dot_general3A_25 {dimension_numbers = #tpu.dot_dimension_numbers<[1], [1], [0], [0], [0, 0, 1, 0], [], []>, transpose_lhs_hint = false} : vector<256x64xf32>, vector<512x64xf32>, vector<256x512xf32> -> vector<256x512xf32>
    %dot_general3A_27 = arith.constant dense<0.000000e+00> : vector<256x512xf32>
    %dot_general3A_28 = tpu.matmul %get3A_1, %slice3A_24, %dot_general3A_27 {dimension_numbers = #tpu.dot_dimension_numbers<[1], [1], [0], [0], [0, 0, 1, 0], [], []>, transpose_lhs_hint = false} : vector<256x64xf32>, vector<512x64xf32>, vector<256x512xf32> -> vector<256x512xf32>
    %concatenate3A = tpu.concatenate %dot_general3A_26, %dot_general3A_28 in 1 : vector<256x512xf32>, vector<256x512xf32> -> vector<256x1024xf32>
    %swap3A = arith.constant 0 : index
    %swap3A_29 = arith.constant 0 : index
    %swap3A_30 = vector.load %arg14[%swap3A, %swap3A_29] : memref<256x1024xf32, #tpu.memory_space<vmem>>, vector<256x1024xf32>
    tpu.vector_store %arg14[%swap3A, %swap3A_29], %concatenate3A {strides = array<i32>} : memref<256x1024xf32, #tpu.memory_space<vmem>>, vector<256x1024xf32>,
    %slice3A_31 = vector.extract_strided_slice %add3A_18 {offsets = [0, 0], sizes = [64, 1024], strides = [1, 1]} : vector<256x1024xf32> to vector<64x1024xf32>
    %logistic3A = arith.negf %slice3A_31 : vector<64x1024xf32>
    %logistic3A_32 = math.exp %logistic3A : vector<64x1024xf32>
    %logistic3A_33 = arith.constant 1.000000e+00 : f32
    %logistic3A_34 = vector.broadcast %logistic3A_33 : f32 to vector<64x1024xf32>
    %logistic3A_35 = arith.addf %logistic3A_34, %logistic3A_32 : vector<64x1024xf32>
    %logistic3A_36 = arith.divf %logistic3A_34, %logistic3A_35 : vector<64x1024xf32>
    %slice3A_37 = vector.extract_strided_slice %add3A_18 {offsets = [64, 0], sizes = [64, 1024], strides = [1, 1]} : vector<256x1024xf32> to vector<64x1024xf32>
    %logistic3A_38 = arith.negf %slice3A_37 : vector<64x1024xf32>
    %logistic3A_39 = math.exp %logistic3A_38 : vector<64x1024xf32>
    %logistic3A_40 = arith.constant 1.000000e+00 : f32
    %logistic3A_41 = vector.broadcast %logistic3A_40 : f32 to vector<64x1024xf32>
    %logistic3A_42 = arith.addf %logistic3A_41, %logistic3A_39 : vector<64x1024xf32>
    %logistic3A_43 = arith.divf %logistic3A_41, %logistic3A_42 : vector<64x1024xf32>
    %slice3A_44 = vector.extract_strided_slice %add3A_18 {offsets = [128, 0], sizes = [64, 1024], strides = [1, 1]} : vector<256x1024xf32> to vector<64x1024xf32>
    %tanh3A = math.tanh %slice3A_44 : vector<64x1024xf32>
    %slice3A_45 = vector.extract_strided_slice %add3A_18 {offsets = [192, 0], sizes = [64, 1024], strides = [1, 1]} : vector<256x1024xf32> to vector<64x1024xf32>
    %logistic3A_46 = arith.negf %slice3A_45 : vector<64x1024xf32>
    %logistic3A_47 = math.exp %logistic3A_46 : vector<64x1024xf32>
    %logistic3A_48 = arith.constant 1.000000e+00 : f32
    %logistic3A_49 = vector.broadcast %logistic3A_48 : f32 to vector<64x1024xf32>
    %logistic3A_50 = arith.addf %logistic3A_49, %logistic3A_47 : vector<64x1024xf32>
    %logistic3A_51 = arith.divf %logistic3A_49, %logistic3A_50 : vector<64x1024xf32>
    %get3A_52 = arith.constant 0 : index
    %get3A_53 = arith.constant 0 : index
    %get3A_54 = vector.load %arg13[%get3A_52, %get3A_53] : memref<64x1024xf32, #tpu.memory_space<vmem>>, vector<64x1024xf32>
    %mul3A = arith.mulf %logistic3A_43, %get3A_54 : vector<64x1024xf32>
    %mul3A_55 = arith.mulf %logistic3A_36, %tanh3A : vector<64x1024xf32>
    %add3A_56 = arith.addf %mul3A, %mul3A_55 : vector<64x1024xf32>
    %tanh3A_57 = math.tanh %add3A_56 : vector<64x1024xf32>
    %mul3A_58 = arith.mulf %logistic3A_51, %tanh3A_57 : vector<64x1024xf32>
    %swap3A_59 = arith.constant 0 : index
    %swap3A_60 = arith.constant 0 : index
    %swap3A_61 = vector.load %arg12[%swap3A_59, %swap3A_60] : memref<64x1024xf32, #tpu.memory_space<vmem>>, vector<64x1024xf32>
    tpu.vector_store %arg12[%swap3A_59, %swap3A_60], %mul3A_58 {strides = array<i32>} : memref<64x1024xf32, #tpu.memory_space<vmem>>, vector<64x1024xf32>,
    %swap3A_62 = arith.constant 0 : index
    %swap3A_63 = arith.constant 0 : index
    %swap3A_64 = vector.load %arg13[%swap3A_62, %swap3A_63] : memref<64x1024xf32, #tpu.memory_space<vmem>>, vector<64x1024xf32>
    tpu.vector_store %arg13[%swap3A_62, %swap3A_63], %add3A_56 {strides = array<i32>} : memref<64x1024xf32, #tpu.memory_space<vmem>>, vector<64x1024xf32>,
    %swap3A_65 = arith.constant 0 : index
    %swap3A_66 = arith.constant 0 : index
    %swap3A_67 = arith.constant 0 : index
    %swap3A_68 = vector.load %arg9[%swap3A_65, %swap3A_66, %swap3A_67] : memref<1x64x1024xf32, #tpu.memory_space<vmem>>, vector<1x64x1024xf32>
    %swap3A_69 = vector.shape_cast %swap3A_68 : vector<1x64x1024xf32> to vector<64x1024xf32>
    %swap3A_70 = vector.shape_cast %mul3A_58 : vector<64x1024xf32> to vector<1x64x1024xf32>
    tpu.vector_store %arg9[%swap3A_65, %swap3A_66, %swap3A_67], %swap3A_70 {strides = array<i32>} : memref<1x64x1024xf32, #tpu.memory_space<vmem>>, vector<1x64x1024xf32>,
    %eq3A_71 = arith.constant 33 : i32
    %eq3A_72 = arith.cmpi eq, %arg0, %eq3A_71 : i32
    %convert_element_type3A_73 = arith.extui %eq3A_72 : i1 to i32
    %cond3A_74 = arith.constant 0 : i32
    %cond3A_75 = arith.cmpi ne, %convert_element_type3A_73, %cond3A_74 : i32
    scf.if %cond3A_75 {
      %swap3A_76 = arith.constant 0 : index
      %swap3A_77 = arith.constant 0 : index
      %swap3A_78 = vector.load %arg10[%swap3A_76, %swap3A_77] : memref<64x1024xf32, #tpu.memory_space<vmem>>, vector<64x1024xf32>
      tpu.vector_store %arg10[%swap3A_76, %swap3A_77], %mul3A_58 {strides = array<i32>} : memref<64x1024xf32, #tpu.memory_space<vmem>>, vector<64x1024xf32>,
      %swap3A_79 = arith.constant 0 : index
      %swap3A_80 = arith.constant 0 : index
      %swap3A_81 = vector.load %arg11[%swap3A_79, %swap3A_80] : memref<64x1024xf32, #tpu.memory_space<vmem>>, vector<64x1024xf32>
      tpu.vector_store %arg11[%swap3A_79, %swap3A_80], %add3A_56 {strides = array<i32>} : memref<64x1024xf32, #tpu.memory_space<vmem>>, vector<64x1024xf32>,
    } else {
    }
    return
  }
  func.func @transform_0(%arg0: i32) -> (i32, i32, i32) {
    %c0_i32 = arith.constant 0 : i32
    %c0_i32_0 = arith.constant 0 : i32
    %c0_i32_1 = arith.constant 0 : i32
    %c0_i32_2 = arith.constant 0 : i32
    return %c0_i32, %c0_i32_0, %c0_i32_1 : i32, i32, i32
  }
  func.func @transform_1(%arg0: i32) -> (i32, i32, i32) {
    %add3A = arith.constant 1 : i32
    %add3A_0 = arith.addi %arg0, %add3A : i32
    %min3A = arith.constant 33 : i32
    %min3A_1 = arith.minsi %add3A_0, %min3A : i32
    %c0_i32 = arith.constant 0 : i32
    %c0_i32_2 = arith.constant 0 : i32
    %c0_i32_3 = arith.constant 0 : i32
    return %min3A_1, %c0_i32, %c0_i32_2 : i32, i32, i32
  }
  func.func @transform_2(%arg0: i32) -> (i32, i32) {
    %c0_i32 = arith.constant 0 : i32
    %c0_i32_0 = arith.constant 0 : i32
    %c0_i32_1 = arith.constant 0 : i32
    return %c0_i32, %c0_i32_0 : i32, i32
  }
  func.func @transform_3(%arg0: i32) -> (i32, i32) {
    %c0_i32 = arith.constant 0 : i32
    %c0_i32_0 = arith.constant 0 : i32
    %c0_i32_1 = arith.constant 0 : i32
    return %c0_i32, %c0_i32_0 : i32, i32
  }
  func.func @transform_4(%arg0: i32) -> (i32, i32) {
    %c0_i32 = arith.constant 0 : i32
    %c0_i32_0 = arith.constant 0 : i32
    %c0_i32_1 = arith.constant 0 : i32
    return %c0_i32, %c0_i32_0 : i32, i32
  }
  func.func @transform_5(%arg0: i32) -> (i32, i32) {
    %c0_i32 = arith.constant 0 : i32
    %c0_i32_0 = arith.constant 0 : i32
    %c0_i32_1 = arith.constant 0 : i32
    return %c0_i32, %c0_i32_0 : i32, i32
  }
  func.func @transform_6(%arg0: i32) -> (i32, i32) {
    %c0_i32 = arith.constant 0 : i32
    %c0_i32_0 = arith.constant 0 : i32
    %c0_i32_1 = arith.constant 0 : i32
    return %c0_i32, %c0_i32_0 : i32, i32
  }
  func.func @transform_8(%arg0: i32) -> (i32, i32, i32) {
    %add3A = arith.constant 16 : i32
    %add3A_0 = arith.addi %arg0, %add3A : i32
    %c0_i32 = arith.constant 0 : i32
    %c0_i32_1 = arith.constant 0 : i32
    %c0_i32_2 = arith.constant 0 : i32
    return %add3A_0, %c0_i32, %c0_i32_1 : i32, i32, i32
  }
  func.func @transform_9(%arg0: i32) -> (i32, i32) {
    %c0_i32 = arith.constant 0 : i32
    %c0_i32_0 = arith.constant 0 : i32
    %c0_i32_1 = arith.constant 0 : i32
    return %c0_i32, %c0_i32_0 : i32, i32
  }
  func.func @transform_10(%arg0: i32) -> (i32, i32) {
    %c0_i32 = arith.constant 0 : i32
    %c0_i32_0 = arith.constant 0 : i32
    %c0_i32_1 = arith.constant 0 : i32
    return %c0_i32, %c0_i32_0 : i32, i32
  }
}

</mosaic_0001>

<sc_bundles>
// kernel: kernel.6.cloned.1.call-start
scs
__scs_entry_jumppad:
0x0: {  	(pc) =	sbr.rel $0x88, $3  }
0x1: {  	(tag) =	ssettag $0x0;
	lr =	simm.s32 $0x1  }
0x2: {  	[smem:$0x3F99] =	sst lr;
	_ =	strace $0xD0000000  }
0x3: {  	_ = 	snop  }
0x4: {  	_ = 	snop  }
0x5: {  	_ = 	snop  }
0x6: {  	_ = 	snop  }
0x7: {  	_ = 	snop  }
__scs_overlays_trampoline_lowered:
0x8: {  	[smem:$0x3FA8] =	sst s0  }
0x9: {  	[smem:$0x3FA9] =	sst s1  }
0xa: {  	[smem:$0x3FAA] =	sst s2  }
0xb: {  	[smem:$0x3FAB] =	sst s3  }
0xc: {  	[smem:$0x3FAC] =	sst s4  }
0xd: {  	[smem:$0x3FAD] =	sst s5  }
0xe: {  	[smem:$0x3FAE] =	sst s6  }
0xf: {  	[smem:$0x3FAF] =	sst s7  }
0x10: {  	[smem:$0x3FB0] =	sst s8  }
0x11: {  	[smem:$0x3FB1] =	sst s9;
	s0 =	simm.s32 @!p0 $0x0  }
0x12: {  	s1 =	sld [smem:$0x3F97];
	s0 =	simm.s32 @p0 $0x1  }
0x13: {  	[smem:$0x3FB2] =	sst s0;
	s0 =	simm.s32 @!p1 $0x0  }
0x14: {  	s2 =	sld [smem:$0x3F96];
	s0 =	simm.s32 @p1 $0x1  }
0x15: {  	[smem:$0x3FB3] =	sst s0;
	s0 =	simm.s32 @!p2 $0x0  }
0x16: {  	s3 =	sld [smem:$0x3FDB];
	s0 =	simm.s32 @p2 $0x1  }
0x17: {  	s4 =	simm.s32 $0x1BF5;
	[smem:$0x3FB5] =	sst s0  }
0x18: {  	s0 =	sld [smem:$0x3F98];
	_ =	swait.ge [sflag:s4], $0x0  }
0x19: {  	s7 =	sld [smem:$0x3F99]  }
0x1a: {  	s8 =	sadd.s32 $0xFFFFE003, lr  }
0x1b: {  	s9 =	sadd.s32 $0xFFFFFEF7, lr;
	s5 =	simm.s32 $0xFFFFFFFF;
	p2 =	slt.u32 s8, $0xFFFFF086  }
0x1c: {  	p1 =	slt.u32 s9, $0xF7A;
	s5 =	simm.s32 @!p2 $0x0  }
0x1d: {  	s5 =	simm.s32 @p1 $0x1;
	p0 =	seq.s32 s7, s2  }
0x1e: {  	s7 =	smul.u32 @!p0 $0xF7A, s2;
	p2 =	seq.s32 @!p0 s5, $0x0  }
0x1f: {  	s9 =	smul.u32 $0xF7A, s1;
	s8 =	simm.s32 @!p0 $0x1BF5;
	p2 =	por !p2, p0  }
0x20: {  	[sflag:s8] =	ssyncset.s32 @!p0 $0xFFFFF086;
	s6 =	sadd.s32 @!p0 s3, s7;
	s7 =	simm.s32 @!p0 $0x108  }
0x21: {  	s3 =	sadd.s32 s3, s9;
	s6 =	sadd.s32 @!p0 $0x88, s6;
	s7 =	simm.s32 @p2 $0x1082  }
0x22: {  	[simem:s7], [sflag:s8] =	dma.local @!p0 [hbm:s6], $0xF7A  }
0x23: {  	s9 =	sor.u32 $0xD0000000, s2;
	s6 =	simm.s32 $0x108;
	_ =	swait.ge @!p0 [sflag:s8], $0x0  }
0x24: {  	s3 =	sadd.s32 $0x88, s3;
	s6 =	simm.s32 @!p1 $0x1082;
	[sflag:s4] =	ssyncset.s32 $0xFFFFF086  }
0x25: {  	[simem:s6], [sflag:s4] =	dma.local [hbm:s3], $0xF7A  }
0x26: {  	[smem:$0x3F99] =	sst s1;
	(tag) =	ssettag s2;
	_ =	strace s9  }
0x27: {  	s1 =	sld [smem:$0x3FA9]  }
0x28: {  	s2 =	sld [smem:$0x3FAA]  }
0x29: {  	s4 =	sld [smem:$0x3FAC]  }
0x2a: {  	p0 =	seq.s32 s5, $0x0;
	s5 =	sld [smem:$0x3FAD]  }
0x2b: {  	s6 =	sld [smem:$0x3FAE]  }
0x2c: {  	s7 =	sld [smem:$0x3FAF]  }
0x2d: {  	s3 =	simm.s32 $0x108;
	s8 =	sld [smem:$0x3FB0]  }
0x2e: {  	s3 =	simm.s32 @!p0 $0x1082;
	s9 =	sld [smem:$0x3FB1]  }
0x2f: {  	lr =	sadd.s32 s0, s3;
	s0 =	sld [smem:$0x3FA8]  }
0x30: {  	s3 =	sld [smem:$0x3FAB]  }
0x31: {  	[smem:$0x3FB4] =	sst s10  }
0x32: {  	s10 =	sld [smem:$0x3FB2];
	_ =	sdelay $0x3  }
0x33: {  	p0 =	seq.s32 s10, $0x1;
	s10 =	sld [smem:$0x3FB4];
	_ =	sdelay $0x3  }
0x34: {  	[smem:$0x3FB4] =	sst s10  }
0x35: {  	s10 =	sld [smem:$0x3FB3];
	_ =	sdelay $0x3  }
0x36: {  	p1 =	seq.s32 s10, $0x1;
	s10 =	sld [smem:$0x3FB4];
	_ =	sdelay $0x3  }
0x37: {  	[smem:$0x3FB4] =	sst s10  }
0x38: {  	s10 =	sld [smem:$0x3FB5]  }
0x39: {  	_ = 	snop;
	(pc) =	sbr.ind lr, $3  }
0x3a: {  	_ = 	snop  }
0x3b: {  	_ = 	snop  }
0x3c: {  	p2 =	seq.s32 s10, $0x1;
	s10 =	sld [smem:$0x3FB4]  }
0x3d: {  	_ =	shalt  }
0x3e: {  	_ =	shalt  }
0x3f: {  	_ =	shalt  }
0x40: {  	_ =	shalt  }
0x41: {  	_ =	shalt  }
0x42: {  	_ =	shalt  }
0x43: {  	_ =	shalt  }
0x44: {  	_ =	shalt  }
0x45: {  	_ =	shalt  }
0x46: {  	_ =	shalt  }
0x47: {  	_ =	shalt  }
0x48: {  	_ =	shalt  }
0x49: {  	_ =	shalt  }
0x4a: {  	_ =	shalt  }
0x4b: {  	_ =	shalt  }
0x4c: {  	_ =	shalt  }
0x4d: {  	_ =	shalt  }
0x4e: {  	_ =	shalt  }
0x4f: {  	_ =	shalt  }
0x50: {  	_ =	shalt  }
0x51: {  	_ =	shalt  }
0x52: {  	_ =	shalt  }
0x53: {  	_ =	shalt  }
0x54: {  	_ =	shalt  }
0x55: {  	_ =	shalt  }
0x56: {  	_ =	shalt  }
0x57: {  	_ =	shalt  }
0x58: {  	_ =	shalt  }
0x59: {  	_ =	shalt  }
0x5a: {  	_ =	shalt  }
0x5b: {  	_ =	shalt  }
0x5c: {  	_ =	shalt  }
0x5d: {  	_ =	shalt  }
0x5e: {  	_ =	shalt  }
0x5f: {  	_ =	shalt  }
0x60: {  	_ =	shalt  }
0x61: {  	_ =	shalt  }
0x62: {  	_ =	shalt  }
0x63: {  	_ =	shalt  }
0x64: {  	_ =	shalt  }
0x65: {  	_ =	shalt  }
0x66: {  	_ =	shalt  }
0x67: {  	_ =	shalt  }
0x68: {  	_ =	shalt  }
0x69: {  	_ =	shalt  }
0x6a: {  	_ =	shalt  }
0x6b: {  	_ =	shalt  }
0x6c: {  	_ =	shalt  }
0x6d: {  	_ =	shalt  }
0x6e: {  	_ =	shalt  }
0x6f: {  	_ =	shalt  }
0x70: {  	_ =	shalt  }
0x71: {  	_ =	shalt  }
0x72: {  	_ =	shalt  }
0x73: {  	_ =	shalt  }
0x74: {  	_ =	shalt  }
0x75: {  	_ =	shalt  }
0x76: {  	_ =	shalt  }
0x77: {  	_ =	shalt  }
0x78: {  	_ =	shalt  }
0x79: {  	_ =	shalt  }
0x7a: {  	_ =	shalt  }
0x7b: {  	_ =	shalt  }
0x7c: {  	_ =	shalt  }
0x7d: {  	_ =	shalt  }
0x7e: {  	_ =	shalt  }
0x7f: {  	_ =	shalt  }
0x80: {  	_ =	shalt  }
0x81: {  	_ =	shalt  }
0x82: {  	_ =	shalt  }
0x83: {  	_ =	shalt  }
0x84: {  	_ =	shalt  }
0x85: {  	_ =	shalt  }
0x86: {  	_ =	shalt  }
0x87: {  	_ =	shalt  }
.Lfunc_end0:
.L_simem_size_0:
called_computation_lowered:
.L_overlay_start_0:
0x88: {  	s2 =	sld [smem:$0x3FD9]  }
0x89: {  	s3 =	sld [smem:$0x3FFE];
	_ =	sdelay $0x1  }
0x8a: {  	s1 =	srdreg.scid  }
0x8b: {  	s0 =	sand.u32 $0x1, s1  }
0x8c: {  	s14 =	sshll.u32 s0, $0xA;
	s2 =	sadd.s32 s3, s2  }
0x8d: {  	s2 =	sadd.s32 s2, s14  }
0x8e: {  	[smem:$0x3FC0] =	sst s2  }
0x8f: {  	_ = 	snop  }
0x90: {  	s2 =	sld [smem:$0x3FD0];
	_ =	sdelay $0x2  }
0x91: {  	s15 =	simm.s32 $0xB;
	s4 =	simm.s32 $0x10  }
0x92: {  	[smem:s4], [sflag:s15] =	dma.local [hbm:s2], $0x1  }
0x93: {  	_ =	swait.eq [sflag:s15], $0x1  }
0x94: {  	[sflag:s15] =	ssyncset.done $0x0  }
0x95: {  	s16 =	sld [smem:$0x10];
	[sflag:s15] =	ssyncadd.s32 $0xFFFFFFFF  }
0x96: {  	s17 =	sld [smem:$0x11];
	(tm) =	ssettm $0x1  }
0x97: {  	s18 =	sld [smem:$0x3FFB];
	_ =	sdelay $0x3  }
0x98: {  	_ =	strace s18  }
0x99: {  	s4 =	sld [smem:$0x3FFC];
	_ =	sdelay $0x3  }
0x9a: {  	_ =	strace s4  }
0x9b: {  	s4 =	sld [smem:$0x3FFD];
	_ =	sdelay $0x3  }
0x9c: {  	_ =	strace s4  }
0x9d: {  	_ =	strace $0x8FFFFFFF  }
0x9e: {  	s19 =	sld [smem:$0x3FDB];
	_ =	sdelay $0x1  }
0x9f: {  	s5 =	simm.s32 $_scs_section_size  }
0xa0: {  	s6 =	simm.s32 $_size__tile_overlayer_lowered;
	s7 =	simm.s32 $_tile_overlayer_lowered  }
0xa1: {  	s22 =	simm.s32 $0x1BFF;
	s21 =	sshll.u32 s7, $0x1;
	s4 =	sadd.s32 s5, s19  }
0xa2: {  	s8 =	simm.s32 $0x0;
	s20 =	sshll.u32 s6, $0x1;
	s6 =	sadd.s32 s21, s4  }
0xa3: {  	[timem:s8], [sflag:s22] =	dma.local [hbm:s6], s20  }
0xa4: {  	_ =	swait.ge [sflag:s22], s20  }
0xa5: {  	s5 =	ssub.s32 $0x0, s20;
	[sflag:s22] =	ssyncset.done $0x0  }
0xa6: {  	[sflag:s22] =	ssyncadd.s32 s5;
	_ =	sdelay $0x1  }
0xa7: {  	s23 =	simm.s32 $0x1B8B  }
0xa8: {  	_ =	swait.ge [sflag:s23], $0x1  }
0xa9: {  	[sflag:s23] =	ssyncset.done $0x0  }
0xaa: {  	s25 =	simm.s32 $0x1B8E;
	s24 =	sld [smem:$0x3FFE];
	[sflag:s23] =	ssyncadd.s32 $0xFFFFFFFF  }
0xab: {  	s26 =	simm.s32 $execute0_lowered;
	[smem:$0x3FD2] =	sst s25  }
0xac: {  	s6 =	sshll.u32 s26, $0x1;
	_ =	strace $0x80000046;
	[dreg:$0x1] =	wrdreg $0xFFFFFFFF  }
0xad: {  	s28 =	simm.s32 $_size_execute0_lowered;
	s4 =	sadd.s32 s4, s6;
	[dreg:$0x0] =	wrdreg $0x0  }
0xae: {  	s6 =	sshll.u32 s28, $0x1;
	[dreg:$0x2] =	wrdreg s4  }
0xaf: {  	[dreg:$0x3] =	wrdreg s6  }
0xb0: {  	[dreg:$0x4] =	wrdreg $0xC0  }
0xb1: {  	_ =	task [dreg:s8], $0x5FFFF  }
0xb2: {  	[dreg:$0x1] =	wrdreg $0xFFFFFFFF  }
0xb3: {  	[dreg:$0x0] =	wrdreg $0x60  }
0xb4: {  	[dreg:$0x2] =	wrdreg s24  }
0xb5: {  	[dreg:$0x3] =	wrdreg s17  }
0xb6: {  	[dreg:$0x4] =	wrdreg s16  }
0xb7: {  	[dreg:$0x5] =	wrdreg $0x9  }
0xb8: {  	_ =	task.clear_ibuf [dreg:s8], $0x6FFFF;
	_ =	strace $0x90000046  }
0xb9: {  	s29 =	simm.s32 $0x9;
	_ =	strace $0x80000048  }
0xba: {  	_ =	swait.ge [sflag:s29], $0x1  }
0xbb: {  	[sflag:s29] =	ssyncadd.s32 $0xFFFFFFFF  }
0xbc: {  	_ =	strace $0x90000048  }
0xbd: {  	_ =	sfence  }
0xbe: {  	s30 =	sld [smem:$0x0];
	_ =	sdelay $0x2  }
0xbf: {  	s31 =	sshll.u32 s1, $0xD;
	s1 =	sshrl.u32 s1, $0x2  }
0xc0: {  	s3 =	sand.u32 $0x4000, s31;
	s1 =	sadd.s32 s1, s30  }
0xc1: {  	s0 =	sor.u32 s3, s0;
	s1 =	sshll.u32 s1, $0x11  }
0xc2: {  	s0 =	sor.u32 s1, s0  }
0xc3: {  	s0 =	sadd.s32 $0x8F2B, s0  }
0xc4: {  	[sflag:s0] =	ssyncadd.remote.s32 $0x1  }
0xc5: {  	_ =	sfence.sel $0xFFFF  }
0xc6: {  	[dreg:$0x0] =	wrdreg $0xFFFFFFFF;
	(pc) =	sbr.abs _section_cstart, $3  }
0xc7: {  	[dreg:$0x1] =	wrdreg $0xFFFFFFFF  }
0xc8: {  	_ =	task.clear_ibuf [dreg:s8], $0x2FFFF;
	_ =	strace $0x9FFFFFFF  }
0xc9: {  	(tm) =	ssettm $0x7FFFFFFF  }
tec
execute0_lowered:
.L_overlay_start_1:
0x0: {  	(tag) =	ssettag $0x1  }
0x1: {  	s5 =	rddreg [dreg:$0x0];
	s0 =	srdreg.scid  }
0x2: {  	s3 =	rddreg [dreg:$0x1];
	s24 =	sand.u32 $0x1, s0;
	s0 =	stileid.u32  }
0x3: {  	s23 =	rddreg [dreg:$0x2];
	s22 =	sshll.u32 s0, $0xA;
	s4 =	sshll.u32 s24, $0x9  }
0x4: {  	s1 =	rddreg [dreg:$0x3];
	s2 =	simm.s32 $0x0;
	s4 =	sor.u32 s4, s22  }
0x5: {  	[smem:$0x7FF] =	sst s2;
	s4 =	sshrl.u32 s4, $0x3  }
0x6: {  	_ =	strace $0x80000047;
	s4 =	sadd.s32 s3, s4;
	s3 =	simm.s32 $0x3  }
0x7: {  	[tilespmem:s2], [sflag:$0x3] =	stream.linear.gather [hbm4b:s4+s2], $0x200, $0x38;
	[tilespmem:$0x2200] =	vst v63  }
0x8: {  	_ =	swait.ge [sflag:s3], $0x200  }
0x9: {  	s6 =	simm.s32 $0x40;
	[sflag:s3] =	ssyncset.done $0x0  }
0xa: {  	s7 =	simm.s32 $0x200;
	s5 =	sadd.s32 $0x188C00, s5;
	[sflag:s3] =	ssyncadd.s32 $0xFFFFFE00  }
0xb: {  	[tilespmem:s7], [sflag:$0x1] =	stream.indirect.gather [hbm4b:s5+s6], $0x40, s2, s6, $0xb8;
	[tilespmem:$0x2200] =	vst v63  }
0xc: {  	s8 =	simm.s32 $0x1200;
	s9 =	simm.s32 $0x1  }
0xd: {  	[tilespmem:s8], [sflag:$0x2] =	stream.indirect.gather [hbm4b:s5+s6], $0x40, s6, s6, $0xb8;
	[tilespmem:$0x2200] =	vst v63  }
0xe: {  	s13 =	sshll.u32 s0, $0xD;
	s14 =	sshll.u32 s24, $0x3;
	_ =	swait.ge [sflag:s9], $0x1000  }
0xf: {  	s10 =	sor.u32 s14, s13;
	[sflag:s9] =	ssyncset.done $0x0  }
0x10: {  	s11 =	simm.s32 $0x80;
	s10 =	sadd.s32 s23, s10;
	[sflag:s9] =	ssyncadd.s32 $0xFFFFF000  }
0x11: {  	[hbm4b:s10+s6] =	stream.strided.scatter [tilespmem:s7], [sflag:$0x3], $0x1000, s11, s6, $0x38;
	[tilespmem:$0x2200] =	vst v63  }
0x12: {  	_ =	swait.ge [sflag:s3], $0x1000  }
0x13: {  	[sflag:s3] =	ssyncset.done $0x0  }
0x14: {  	s12 =	simm.s32 $0x2;
	[sflag:s3] =	ssyncadd.s32 $0xFFFFF000  }
0x15: {  	[tilespmem:s7], [sflag:$0x1] =	stream.indirect.gather [hbm4b:s5+s6], $0x40, s11, s6, $0xb8;
	[tilespmem:$0x2200] =	vst v63  }
0x16: {  	s13 =	sadd.s32 s23, s13;
	_ =	swait.ge [sflag:s12], $0x1000  }
0x17: {  	s21 =	sadd.s32 s14, s13;
	[sflag:s12] =	ssyncset.done $0x0  }
0x18: {  	s13 =	sadd.s32 $0x400, s21;
	[sflag:s12] =	ssyncadd.s32 $0xFFFFF000  }
0x19: {  	[hbm4b:s13+s6] =	stream.strided.scatter [tilespmem:s8], [sflag:$0x3], $0x1000, s11, s6, $0x38;
	[tilespmem:$0x2200] =	vst v63  }
0x1a: {  	_ =	swait.ge [sflag:s3], $0x1000  }
0x1b: {  	[sflag:s3] =	ssyncset.done $0x0  }
0x1c: {  	s14 =	simm.s32 $0xC0;
	[sflag:s3] =	ssyncadd.s32 $0xFFFFF000  }
0x1d: {  	[tilespmem:s8], [sflag:$0x2] =	stream.indirect.gather [hbm4b:s5+s6], $0x40, s14, s6, $0xb8;
	[tilespmem:$0x2200] =	vst v63  }
0x1e: {  	_ =	swait.ge [sflag:s9], $0x1000  }
0x1f: {  	[sflag:s9] =	ssyncset.done $0x0  }
0x20: {  	s15 =	sadd.s32 $0x800, s10;
	[sflag:s9] =	ssyncadd.s32 $0xFFFFF000  }
0x21: {  	[hbm4b:s15+s6] =	stream.strided.scatter [tilespmem:s7], [sflag:$0x3], $0x1000, s11, s6, $0x38;
	[tilespmem:$0x2200] =	vst v63  }
0x22: {  	_ =	swait.ge [sflag:s3], $0x1000  }
0x23: {  	[sflag:s3] =	ssyncset.done $0x0  }
0x24: {  	s16 =	simm.s32 $0x100;
	[sflag:s3] =	ssyncadd.s32 $0xFFFFF000  }
0x25: {  	[tilespmem:s7], [sflag:$0x1] =	stream.indirect.gather [hbm4b:s5+s6], $0x40, s16, s6, $0xb8;
	[tilespmem:$0x2200] =	vst v63  }
0x26: {  	_ =	swait.ge [sflag:s12], $0x1000  }
0x27: {  	[sflag:s12] =	ssyncset.done $0x0  }
0x28: {  	s17 =	sadd.s32 $0xC00, s21;
	[sflag:s12] =	ssyncadd.s32 $0xFFFFF000  }
0x29: {  	[hbm4b:s17+s6] =	stream.strided.scatter [tilespmem:s8], [sflag:$0x3], $0x1000, s11, s6, $0x38;
	[tilespmem:$0x2200] =	vst v63  }
0x2a: {  	_ =	swait.ge [sflag:s3], $0x1000  }
0x2b: {  	[sflag:s3] =	ssyncset.done $0x0  }
0x2c: {  	s18 =	simm.s32 $0x140;
	[sflag:s3] =	ssyncadd.s32 $0xFFFFF000  }
0x2d: {  	[tilespmem:s8], [sflag:$0x2] =	stream.indirect.gather [hbm4b:s5+s6], $0x40, s18, s6, $0xb8;
	[tilespmem:$0x2200] =	vst v63  }
0x2e: {  	_ =	swait.ge [sflag:s9], $0x1000  }
0x2f: {  	[sflag:s9] =	ssyncset.done $0x0  }
0x30: {  	s19 =	sadd.s32 $0x1000, s10;
	[sflag:s9] =	ssyncadd.s32 $0xFFFFF000  }
0x31: {  	[hbm4b:s19+s6] =	stream.strided.scatter [tilespmem:s7], [sflag:$0x3], $0x1000, s11, s6, $0x38;
	[tilespmem:$0x2200] =	vst v63  }
0x32: {  	_ =	swait.ge [sflag:s3], $0x1000  }
0x33: {  	[sflag:s3] =	ssyncset.done $0x0  }
0x34: {  	s20 =	simm.s32 $0x180;
	[sflag:s3] =	ssyncadd.s32 $0xFFFFF000  }
0x35: {  	[tilespmem:s7], [sflag:$0x1] =	stream.indirect.gather [hbm4b:s5+s6], $0x40, s20, s6, $0xb8;
	[tilespmem:$0x2200] =	vst v63  }
0x36: {  	_ =	swait.ge [sflag:s12], $0x1000  }
0x37: {  	[sflag:s12] =	ssyncset.done $0x0  }
0x38: {  	s21 =	sadd.s32 $0x1400, s21;
	[sflag:s12] =	ssyncadd.s32 $0xFFFFF000  }
0x39: {  	[hbm4b:s21+s6] =	stream.strided.scatter [tilespmem:s8], [sflag:$0x3], $0x1000, s11, s6, $0x38;
	[tilespmem:$0x2200] =	vst v63  }
0x3a: {  	_ =	swait.ge [sflag:s3], $0x1000  }
0x3b: {  	[sflag:s3] =	ssyncset.done $0x0  }
0x3c: {  	s25 =	sor.u32 s24, s22;
	s22 =	simm.s32 $0x1C0;
	[sflag:s3] =	ssyncadd.s32 $0xFFFFF000  }
0x3d: {  	[tilespmem:s8], [sflag:$0x2] =	stream.indirect.gather [hbm4b:s5+s6], $0x40, s22, s6, $0xb8;
	[tilespmem:$0x2200] =	vst v63  }
0x3e: {  	s25 =	sshll.u32 s25, $0x3;
	_ =	swait.ge [sflag:s9], $0x1000  }
0x3f: {  	s25 =	sadd.s32 s25, s23;
	[sflag:s9] =	ssyncset.done $0x0  }
0x40: {  	s24 =	ssub.s32 $0x2, s24;
	s23 =	sadd.s32 $0x1800, s25;
	[sflag:s9] =	ssyncadd.s32 $0xFFFFF000  }
0x41: {  	[hbm4b:s23+s6] =	stream.strided.scatter [tilespmem:s7], [sflag:$0x3], $0x1000, s11, s6, $0x38;
	[tilespmem:$0x2200] =	vst v63  }
0x42: {  	s26 =	sshrl.u32 s24, $0x1;
	_ =	swait.ge [sflag:s3], $0x1000  }
0x43: {  	s26 =	ssub.s32 s24, s26;
	[sflag:s3] =	ssyncset.done $0x0  }
0x44: {  	s31 =	smax.u32 s26, $0x1;
	[sflag:s3] =	ssyncadd.s32 $0xFFFFF000  }
0x45: {  	p0 =	sne.s32 s31, $0x1;
	_ =	swait.ge [sflag:s12], $0x1000  }
.Ltmp0:
0x46: {  	[sflag:s12] =	ssyncset.done $0x0;
	(pc) =	sbr.rel @!p0 .LBB2_2-.Ltmp0, $4  }
0x47: {  	s24 =	sadd.s32 $0x1C00, s25;
	[sflag:s12] =	ssyncadd.s32 $0xFFFFF000  }
0x48: {  	[hbm4b:s24+s6] =	stream.strided.scatter [tilespmem:s8], [sflag:$0x3], $0x1000, s11, s6, $0x38;
	[tilespmem:$0x2200] =	vst v63  }
0x49: {  	_ =	swait.ge [sflag:s3], $0x1000  }
0x4a: {  	s25 =	sadd.s32 $0xFFFFFFFF, s31;
	[sflag:s3] =	ssyncset.done $0x0  }
.LBB2_1:
0x4b: {  	p0 =	sne.s32 s25, $0x1;
	s25 =	sadd.s32 $0xFFFFFFFF, s25;
	[sflag:s3] =	ssyncadd.s32 $0xFFFFF000  }
0x4c: {  	[tilespmem:s2], [sflag:$0x3] =	stream.linear.gather [hbm4b:s4+s2], $0x200, $0x38;
	[tilespmem:$0x2200] =	vst v63  }
0x4d: {  	_ =	swait.ge [sflag:s3], $0x200  }
0x4e: {  	[sflag:s3] =	ssyncset.done $0x0  }
0x4f: {  	[sflag:s3] =	ssyncadd.s32 $0xFFFFFE00  }
0x50: {  	[tilespmem:s7], [sflag:$0x1] =	stream.indirect.gather [hbm4b:s5+s6], $0x40, s2, s6, $0xb8;
	[tilespmem:$0x2200] =	vst v63  }
0x51: {  	_ = 	snop  }
0x52: {  	[tilespmem:s8], [sflag:$0x2] =	stream.indirect.gather [hbm4b:s5+s6], $0x40, s6, s6, $0xb8;
	[tilespmem:$0x2200] =	vst v63  }
0x53: {  	_ =	swait.ge [sflag:s9], $0x1000  }
0x54: {  	[sflag:s9] =	ssyncset.done $0x0  }
0x55: {  	[sflag:s9] =	ssyncadd.s32 $0xFFFFF000  }
0x56: {  	[hbm4b:s10+s6] =	stream.strided.scatter [tilespmem:s7], [sflag:$0x3], $0x1000, s11, s6, $0x38;
	[tilespmem:$0x2200] =	vst v63  }
0x57: {  	_ =	swait.ge [sflag:s3], $0x1000  }
0x58: {  	[sflag:s3] =	ssyncset.done $0x0  }
0x59: {  	[sflag:s3] =	ssyncadd.s32 $0xFFFFF000  }
0x5a: {  	[tilespmem:s7], [sflag:$0x1] =	stream.indirect.gather [hbm4b:s5+s6], $0x40, s11, s6, $0xb8;
	[tilespmem:$0x2200] =	vst v63  }
0x5b: {  	_ =	swait.ge [sflag:s12], $0x1000  }
0x5c: {  	[sflag:s12] =	ssyncset.done $0x0  }
0x5d: {  	[sflag:s12] =	ssyncadd.s32 $0xFFFFF000  }
0x5e: {  	[hbm4b:s13+s6] =	stream.strided.scatter [tilespmem:s8], [sflag:$0x3], $0x1000, s11, s6, $0x38;
	[tilespmem:$0x2200] =	vst v63  }
0x5f: {  	_ =	swait.ge [sflag:s3], $0x1000  }
0x60: {  	[sflag:s3] =	ssyncset.done $0x0  }
0x61: {  	[sflag:s3] =	ssyncadd.s32 $0xFFFFF000  }
0x62: {  	[tilespmem:s8], [sflag:$0x2] =	stream.indirect.gather [hbm4b:s5+s6], $0x40, s14, s6, $0xb8;
	[tilespmem:$0x2200] =	vst v63  }
0x63: {  	_ =	swait.ge [sflag:s9], $0x1000  }
0x64: {  	[sflag:s9] =	ssyncset.done $0x0  }
0x65: {  	[sflag:s9] =	ssyncadd.s32 $0xFFFFF000  }
0x66: {  	[hbm4b:s15+s6] =	stream.strided.scatter [tilespmem:s7], [sflag:$0x3], $0x1000, s11, s6, $0x38;
	[tilespmem:$0x2200] =	vst v63  }
0x67: {  	_ =	swait.ge [sflag:s3], $0x1000  }
0x68: {  	[sflag:s3] =	ssyncset.done $0x0  }
0x69: {  	[sflag:s3] =	ssyncadd.s32 $0xFFFFF000  }
0x6a: {  	[tilespmem:s7], [sflag:$0x1] =	stream.indirect.gather [hbm4b:s5+s6], $0x40, s16, s6, $0xb8;
	[tilespmem:$0x2200] =	vst v63  }
0x6b: {  	_ =	swait.ge [sflag:s12], $0x1000  }
0x6c: {  	[sflag:s12] =	ssyncset.done $0x0  }
0x6d: {  	[sflag:s12] =	ssyncadd.s32 $0xFFFFF000  }
0x6e: {  	[hbm4b:s17+s6] =	stream.strided.scatter [tilespmem:s8], [sflag:$0x3], $0x1000, s11, s6, $0x38;
	[tilespmem:$0x2200] =	vst v63  }
0x6f: {  	_ =	swait.ge [sflag:s3], $0x1000  }
0x70: {  	[sflag:s3] =	ssyncset.done $0x0  }
0x71: {  	[sflag:s3] =	ssyncadd.s32 $0xFFFFF000  }
0x72: {  	[tilespmem:s8], [sflag:$0x2] =	stream.indirect.gather [hbm4b:s5+s6], $0x40, s18, s6, $0xb8;
	[tilespmem:$0x2200] =	vst v63  }
0x73: {  	_ =	swait.ge [sflag:s9], $0x1000  }
0x74: {  	[sflag:s9] =	ssyncset.done $0x0  }
0x75: {  	[sflag:s9] =	ssyncadd.s32 $0xFFFFF000  }
0x76: {  	[hbm4b:s19+s6] =	stream.strided.scatter [tilespmem:s7], [sflag:$0x3], $0x1000, s11, s6, $0x38;
	[tilespmem:$0x2200] =	vst v63  }
0x77: {  	_ =	swait.ge [sflag:s3], $0x1000  }
0x78: {  	[sflag:s3] =	ssyncset.done $0x0  }
0x79: {  	[sflag:s3] =	ssyncadd.s32 $0xFFFFF000  }
0x7a: {  	[tilespmem:s7], [sflag:$0x1] =	stream.indirect.gather [hbm4b:s5+s6], $0x40, s20, s6, $0xb8;
	[tilespmem:$0x2200] =	vst v63  }
0x7b: {  	_ =	swait.ge [sflag:s12], $0x1000  }
0x7c: {  	[sflag:s12] =	ssyncset.done $0x0  }
0x7d: {  	[sflag:s12] =	ssyncadd.s32 $0xFFFFF000  }
0x7e: {  	[hbm4b:s21+s6] =	stream.strided.scatter [tilespmem:s8], [sflag:$0x3], $0x1000, s11, s6, $0x38;
	[tilespmem:$0x2200] =	vst v63  }
0x7f: {  	_ =	swait.ge [sflag:s3], $0x1000  }
0x80: {  	[sflag:s3] =	ssyncset.done $0x0  }
0x81: {  	[sflag:s3] =	ssyncadd.s32 $0xFFFFF000  }
0x82: {  	[tilespmem:s8], [sflag:$0x2] =	stream.indirect.gather [hbm4b:s5+s6], $0x40, s22, s6, $0xb8;
	[tilespmem:$0x2200] =	vst v63  }
0x83: {  	_ =	swait.ge [sflag:s9], $0x1000  }
0x84: {  	[sflag:s9] =	ssyncset.done $0x0  }
0x85: {  	[sflag:s9] =	ssyncadd.s32 $0xFFFFF000  }
0x86: {  	[hbm4b:s23+s6] =	stream.strided.scatter [tilespmem:s7], [sflag:$0x3], $0x1000, s11, s6, $0x38;
	[tilespmem:$0x2200] =	vst v63  }
0x87: {  	_ =	swait.ge [sflag:s3], $0x1000  }
0x88: {  	[sflag:s3] =	ssyncset.done $0x0  }
0x89: {  	[sflag:s3] =	ssyncadd.s32 $0xFFFFF000  }
0x8a: {  	_ =	swait.ge [sflag:s12], $0x1000  }
.Ltmp1:
0x8b: {  	[sflag:s12] =	ssyncset.done $0x0;
	(pc) =	sbr.rel @p0 .LBB2_1-.Ltmp1, $4  }
0x8c: {  	[sflag:s12] =	ssyncadd.s32 $0xFFFFF000  }
0x8d: {  	[hbm4b:s24+s6] =	stream.strided.scatter [tilespmem:s8], [sflag:$0x3], $0x1000, s11, s6, $0x38;
	[tilespmem:$0x2200] =	vst v63  }
0x8e: {  	_ =	swait.ge [sflag:s3], $0x1000  }
0x8f: {  	[sflag:s3] =	ssyncset.done $0x0  }
.LBB2_2:
0x90: {  	[sflag:s3] =	ssyncadd.s32 $0xFFFFF000  }
0x91: {  	_ =	sfence.sel $0x180000  }
0x92: {  	[bflag:$0x0] =	sbarrier.arrive $0xFFFF  }
0x93: {  	p0 =	sne.s32 s0, $0x0;
	_ =	strace $0x90000047  }
0x94: {  	s0 =	sadd.s32 @!p0 $0x100000, s1;
	[bflag:$0x2] =	sbarrier.arrive $0xFFFF  }
0x95: {  	[sflag:s0] =	ssyncadd.tile.s32 @!p0 $0x1;
	_ =	shalt  }
.Lfunc_end2:
_tile_overlayer_lowered:
.L_overlay_start_2:
0x96: {  	(tag) =	ssettag $0x2  }
0x97: {  	s0 =	rddreg [dreg:$0x0];
	s2 =	stileid.u32  }
0x98: {  	s1 =	rddreg [dreg:$0x1];
	p0 =	sne.s32 s2, $0x0  }
0x99: {  	s3 =	rddreg [dreg:$0x2];
	[bflag:$0x3] =	sbarrier.arrive $0xFFFF;
	s2 =	simm.s32 @!p0 $0x1C03  }
0x9a: {  	[timem:s3], [sflag:s2] =	dma.local @!p0 [hbm:s0], s1  }
0x9b: {  	s0 =	simm.s32 @!p0 $0x3  }
0x9c: {  	_ =	swait.ge @!p0 [sflag:s0], s1  }
0x9d: {  	s1 =	ssub.s32 @!p0 $0x0, s1;
	[sflag:s0] =	ssyncset.done @!p0 $0x0  }
0x9e: {  	[sflag:s0] =	ssyncadd.s32 @!p0 s1  }
0x9f: {  	[bflag:$0x3] =	sbarrier.arrive $0xFFFF  }
0xa0: {  	_ =	shalt  }

// kernel: kernel.9.cloned.1.call-start
scs
__scs_entry_jumppad:
0x0: {  	(pc) =	sbr.rel $0x88, $3  }
0x1: {  	(tag) =	ssettag $0x0;
	lr =	simm.s32 $0x1  }
0x2: {  	[smem:$0x3F99] =	sst lr;
	_ =	strace $0xD0000000  }
0x3: {  	_ = 	snop  }
0x4: {  	_ = 	snop  }
0x5: {  	_ = 	snop  }
0x6: {  	_ = 	snop  }
0x7: {  	_ = 	snop  }
__scs_overlays_trampoline_lowered:
0x8: {  	[smem:$0x3FA8] =	sst s0  }
0x9: {  	[smem:$0x3FA9] =	sst s1  }
0xa: {  	[smem:$0x3FAA] =	sst s2  }
0xb: {  	[smem:$0x3FAB] =	sst s3  }
0xc: {  	[smem:$0x3FAC] =	sst s4  }
0xd: {  	[smem:$0x3FAD] =	sst s5  }
0xe: {  	[smem:$0x3FAE] =	sst s6  }
0xf: {  	[smem:$0x3FAF] =	sst s7  }
0x10: {  	[smem:$0x3FB0] =	sst s8  }
0x11: {  	[smem:$0x3FB1] =	sst s9;
	s0 =	simm.s32 @!p0 $0x0  }
0x12: {  	s1 =	sld [smem:$0x3F97];
	s0 =	simm.s32 @p0 $0x1  }
0x13: {  	[smem:$0x3FB2] =	sst s0;
	s0 =	simm.s32 @!p1 $0x0  }
0x14: {  	s2 =	sld [smem:$0x3F96];
	s0 =	simm.s32 @p1 $0x1  }
0x15: {  	[smem:$0x3FB3] =	sst s0;
	s0 =	simm.s32 @!p2 $0x0  }
0x16: {  	s3 =	sld [smem:$0x3FDB];
	s0 =	simm.s32 @p2 $0x1  }
0x17: {  	s4 =	simm.s32 $0x1BF5;
	[smem:$0x3FB5] =	sst s0  }
0x18: {  	s0 =	sld [smem:$0x3F98];
	_ =	swait.ge [sflag:s4], $0x0  }
0x19: {  	s7 =	sld [smem:$0x3F99]  }
0x1a: {  	s8 =	sadd.s32 $0xFFFFE003, lr  }
0x1b: {  	s9 =	sadd.s32 $0xFFFFFEF7, lr;
	s5 =	simm.s32 $0xFFFFFFFF;
	p2 =	slt.u32 s8, $0xFFFFF086  }
0x1c: {  	p1 =	slt.u32 s9, $0xF7A;
	s5 =	simm.s32 @!p2 $0x0  }
0x1d: {  	s5 =	simm.s32 @p1 $0x1;
	p0 =	seq.s32 s7, s2  }
0x1e: {  	s7 =	smul.u32 @!p0 $0xF7A, s2;
	p2 =	seq.s32 @!p0 s5, $0x0  }
0x1f: {  	s9 =	smul.u32 $0xF7A, s1;
	s8 =	simm.s32 @!p0 $0x1BF5;
	p2 =	por !p2, p0  }
0x20: {  	[sflag:s8] =	ssyncset.s32 @!p0 $0xFFFFF086;
	s6 =	sadd.s32 @!p0 s3, s7;
	s7 =	simm.s32 @!p0 $0x108  }
0x21: {  	s3 =	sadd.s32 s3, s9;
	s6 =	sadd.s32 @!p0 $0x88, s6;
	s7 =	simm.s32 @p2 $0x1082  }
0x22: {  	[simem:s7], [sflag:s8] =	dma.local @!p0 [hbm:s6], $0xF7A  }
0x23: {  	s9 =	sor.u32 $0xD0000000, s2;
	s6 =	simm.s32 $0x108;
	_ =	swait.ge @!p0 [sflag:s8], $0x0  }
0x24: {  	s3 =	sadd.s32 $0x88, s3;
	s6 =	simm.s32 @!p1 $0x1082;
	[sflag:s4] =	ssyncset.s32 $0xFFFFF086  }
0x25: {  	[simem:s6], [sflag:s4] =	dma.local [hbm:s3], $0xF7A  }
0x26: {  	[smem:$0x3F99] =	sst s1;
	(tag) =	ssettag s2;
	_ =	strace s9  }
0x27: {  	s1 =	sld [smem:$0x3FA9]  }
0x28: {  	s2 =	sld [smem:$0x3FAA]  }
0x29: {  	s4 =	sld [smem:$0x3FAC]  }
0x2a: {  	p0 =	seq.s32 s5, $0x0;
	s5 =	sld [smem:$0x3FAD]  }
0x2b: {  	s6 =	sld [smem:$0x3FAE]  }
0x2c: {  	s7 =	sld [smem:$0x3FAF]  }
0x2d: {  	s3 =	simm.s32 $0x108;
	s8 =	sld [smem:$0x3FB0]  }
0x2e: {  	s3 =	simm.s32 @!p0 $0x1082;
	s9 =	sld [smem:$0x3FB1]  }
0x2f: {  	lr =	sadd.s32 s0, s3;
	s0 =	sld [smem:$0x3FA8]  }
0x30: {  	s3 =	sld [smem:$0x3FAB]  }
0x31: {  	[smem:$0x3FB4] =	sst s10  }
0x32: {  	s10 =	sld [smem:$0x3FB2];
	_ =	sdelay $0x3  }
0x33: {  	p0 =	seq.s32 s10, $0x1;
	s10 =	sld [smem:$0x3FB4];
	_ =	sdelay $0x3  }
0x34: {  	[smem:$0x3FB4] =	sst s10  }
0x35: {  	s10 =	sld [smem:$0x3FB3];
	_ =	sdelay $0x3  }
0x36: {  	p1 =	seq.s32 s10, $0x1;
	s10 =	sld [smem:$0x3FB4];
	_ =	sdelay $0x3  }
0x37: {  	[smem:$0x3FB4] =	sst s10  }
0x38: {  	s10 =	sld [smem:$0x3FB5]  }
0x39: {  	_ = 	snop;
	(pc) =	sbr.ind lr, $3  }
0x3a: {  	_ = 	snop  }
0x3b: {  	_ = 	snop  }
0x3c: {  	p2 =	seq.s32 s10, $0x1;
	s10 =	sld [smem:$0x3FB4]  }
0x3d: {  	_ =	shalt  }
0x3e: {  	_ =	shalt  }
0x3f: {  	_ =	shalt  }
0x40: {  	_ =	shalt  }
0x41: {  	_ =	shalt  }
0x42: {  	_ =	shalt  }
0x43: {  	_ =	shalt  }
0x44: {  	_ =	shalt  }
0x45: {  	_ =	shalt  }
0x46: {  	_ =	shalt  }
0x47: {  	_ =	shalt  }
0x48: {  	_ =	shalt  }
0x49: {  	_ =	shalt  }
0x4a: {  	_ =	shalt  }
0x4b: {  	_ =	shalt  }
0x4c: {  	_ =	shalt  }
0x4d: {  	_ =	shalt  }
0x4e: {  	_ =	shalt  }
0x4f: {  	_ =	shalt  }
0x50: {  	_ =	shalt  }
0x51: {  	_ =	shalt  }
0x52: {  	_ =	shalt  }
0x53: {  	_ =	shalt  }
0x54: {  	_ =	shalt  }
0x55: {  	_ =	shalt  }
0x56: {  	_ =	shalt  }
0x57: {  	_ =	shalt  }
0x58: {  	_ =	shalt  }
0x59: {  	_ =	shalt  }
0x5a: {  	_ =	shalt  }
0x5b: {  	_ =	shalt  }
0x5c: {  	_ =	shalt  }
0x5d: {  	_ =	shalt  }
0x5e: {  	_ =	shalt  }
0x5f: {  	_ =	shalt  }
0x60: {  	_ =	shalt  }
0x61: {  	_ =	shalt  }
0x62: {  	_ =	shalt  }
0x63: {  	_ =	shalt  }
0x64: {  	_ =	shalt  }
0x65: {  	_ =	shalt  }
0x66: {  	_ =	shalt  }
0x67: {  	_ =	shalt  }
0x68: {  	_ =	shalt  }
0x69: {  	_ =	shalt  }
0x6a: {  	_ =	shalt  }
0x6b: {  	_ =	shalt  }
0x6c: {  	_ =	shalt  }
0x6d: {  	_ =	shalt  }
0x6e: {  	_ =	shalt  }
0x6f: {  	_ =	shalt  }
0x70: {  	_ =	shalt  }
0x71: {  	_ =	shalt  }
0x72: {  	_ =	shalt  }
0x73: {  	_ =	shalt  }
0x74: {  	_ =	shalt  }
0x75: {  	_ =	shalt  }
0x76: {  	_ =	shalt  }
0x77: {  	_ =	shalt  }
0x78: {  	_ =	shalt  }
0x79: {  	_ =	shalt  }
0x7a: {  	_ =	shalt  }
0x7b: {  	_ =	shalt  }
0x7c: {  	_ =	shalt  }
0x7d: {  	_ =	shalt  }
0x7e: {  	_ =	shalt  }
0x7f: {  	_ =	shalt  }
0x80: {  	_ =	shalt  }
0x81: {  	_ =	shalt  }
0x82: {  	_ =	shalt  }
0x83: {  	_ =	shalt  }
0x84: {  	_ =	shalt  }
0x85: {  	_ =	shalt  }
0x86: {  	_ =	shalt  }
0x87: {  	_ =	shalt  }
.Lfunc_end0:
.L_simem_size_0:
called_computation.1_lowered:
.L_overlay_start_0:
0x88: {  	s2 =	sld [smem:$0x3FD9]  }
0x89: {  	s3 =	sld [smem:$0x3FFE];
	_ =	sdelay $0x1  }
0x8a: {  	s1 =	srdreg.scid  }
0x8b: {  	s0 =	sand.u32 $0x1, s1  }
0x8c: {  	s15 =	sshll.u32 s0, $0xA;
	s2 =	sadd.s32 s3, s2  }
0x8d: {  	s2 =	sadd.s32 s2, s15  }
0x8e: {  	[smem:$0x3FC0] =	sst s2  }
0x8f: {  	_ = 	snop  }
0x90: {  	s2 =	sld [smem:$0x3FD0];
	_ =	sdelay $0x2  }
0x91: {  	s16 =	simm.s32 $0xB;
	s4 =	simm.s32 $0x10  }
0x92: {  	[smem:s4], [sflag:s16] =	dma.local [hbm:s2], $0x1  }
0x93: {  	_ =	swait.eq [sflag:s16], $0x1  }
0x94: {  	[sflag:s16] =	ssyncset.done $0x0  }
0x95: {  	[sflag:s16] =	ssyncadd.s32 $0xFFFFFFFF  }
0x96: {  	s17 =	sld [smem:$0x12];
	(tm) =	ssettm $0x1  }
0x97: {  	s18 =	sld [smem:$0x3FFB];
	_ =	sdelay $0x3  }
0x98: {  	_ =	strace s18  }
0x99: {  	s2 =	sld [smem:$0x3FFC];
	_ =	sdelay $0x3  }
0x9a: {  	_ =	strace s2  }
0x9b: {  	s2 =	sld [smem:$0x3FFD];
	_ =	sdelay $0x3  }
0x9c: {  	_ =	strace s2  }
0x9d: {  	_ =	strace $0x8FFFFFFF  }
0x9e: {  	s19 =	sld [smem:$0x3FDB];
	_ =	sdelay $0x1  }
0x9f: {  	s20 =	simm.s32 $_scs_section_size  }
0xa0: {  	s5 =	simm.s32 $_size__tile_overlayer_lowered;
	s6 =	simm.s32 $_tile_overlayer_lowered  }
0xa1: {  	s7 =	simm.s32 $0x1BFF;
	s21 =	sshll.u32 s6, $0x1;
	s4 =	sadd.s32 s20, s19  }
0xa2: {  	s22 =	simm.s32 $0x0;
	s5 =	sshll.u32 s5, $0x1;
	s6 =	sadd.s32 s21, s4  }
0xa3: {  	[timem:s22], [sflag:s7] =	dma.local [hbm:s6], s5  }
0xa4: {  	_ =	swait.ge [sflag:s7], s5  }
0xa5: {  	s5 =	ssub.s32 $0x0, s5;
	[sflag:s7] =	ssyncset.done $0x0  }
0xa6: {  	[sflag:s7] =	ssyncadd.s32 s5;
	_ =	sdelay $0x1  }
0xa7: {  	s23 =	simm.s32 $0x1B8B  }
0xa8: {  	_ =	swait.ge [sflag:s23], $0x1  }
0xa9: {  	[sflag:s23] =	ssyncset.done $0x0  }
0xaa: {  	[sflag:s23] =	ssyncadd.s32 $0xFFFFFFFF  }
0xab: {  	s5 =	sld [smem:$0x0]  }
0xac: {  	s6 =	sand.u32 $0xFFFFFFFE, s1  }
0xad: {  	p0 =	sne.s32 s1, s6  }
0xae: {  	s6 =	sshll.u32 @p0 s6, $0xE  }
0xaf: {  	s6 =	sadd.s32 @p0 $0x11B8D, s6;
	s7 =	sshll.u32 @p0 s5, $0x11  }
0xb0: {  	s6 =	sor.u32 @p0 s7, s6  }
0xb1: {  	[sflag:s6] =	ssyncadd.remote.s32 @p0 $0x1;
	_ =	sdelay $0x1  }
0xb2: {  	s6 =	simm.s32 @p0 $0x1B8D  }
0xb3: {  	_ =	swait.eq @p0 [sflag:s6], $0x1  }
0xb4: {  	[sflag:s6] =	ssyncadd.s32 @p0 $0xFFFFFFFF  }
0xb5: {  	s7 =	sshll.u32 @!p0 s1, $0xE  }
0xb6: {  	s7 =	sor.u32 @!p0 $0x4000, s7;
	s6 =	simm.s32 @!p0 $0x1B8D  }
0xb7: {  	s5 =	sshll.u32 @!p0 s5, $0x11;
	s7 =	sadd.s32 @!p0 $0x11B8D, s7;
	_ =	swait.eq @!p0 [sflag:s6], $0x1  }
0xb8: {  	s5 =	sor.u32 @!p0 s5, s7;
	[sflag:s6] =	ssyncadd.s32 @!p0 $0xFFFFFFFF  }
0xb9: {  	s25 =	simm.s32 $0x1B8E;
	s24 =	sld [smem:$0x3FFE];
	[sflag:s5] =	ssyncadd.remote.s32 @!p0 $0x1  }
0xba: {  	s26 =	simm.s32 $execute0_lowered;
	[smem:$0x3FD2] =	sst s25  }
0xbb: {  	s6 =	sshll.u32 s26, $0x1;
	_ =	strace $0x80000049;
	[dreg:$0x1] =	wrdreg $0xFFFFFFFF  }
0xbc: {  	s28 =	simm.s32 $_size_execute0_lowered;
	s4 =	sadd.s32 s4, s6;
	[dreg:$0x0] =	wrdreg $0x0  }
0xbd: {  	s6 =	sshll.u32 s28, $0x1;
	[dreg:$0x2] =	wrdreg s4  }
0xbe: {  	[dreg:$0x3] =	wrdreg s6  }
0xbf: {  	[dreg:$0x4] =	wrdreg $0xC0  }
0xc0: {  	_ =	task [dreg:s22], $0x5FFFF  }
0xc1: {  	[dreg:$0x1] =	wrdreg $0xFFFFFFFF  }
0xc2: {  	[dreg:$0x0] =	wrdreg $0x60  }
0xc3: {  	[dreg:$0x2] =	wrdreg s24  }
0xc4: {  	[dreg:$0x3] =	wrdreg s17  }
0xc5: {  	[dreg:$0x4] =	wrdreg $0xA  }
0xc6: {  	_ =	task.clear_ibuf [dreg:s22], $0x5FFFF;
	_ =	strace $0x90000049  }
0xc7: {  	s29 =	simm.s32 $0xA;
	_ =	strace $0x8000004B  }
0xc8: {  	_ =	swait.ge [sflag:s29], $0x1  }
0xc9: {  	[sflag:s29] =	ssyncadd.s32 $0xFFFFFFFF  }
0xca: {  	_ =	strace $0x9000004B  }
0xcb: {  	_ =	sfence  }
0xcc: {  	s30 =	sld [smem:$0x0];
	_ =	sdelay $0x2  }
0xcd: {  	s31 =	sshll.u32 s1, $0xD;
	s1 =	sshrl.u32 s1, $0x2  }
0xce: {  	s4 =	sand.u32 $0x4000, s31;
	s1 =	sadd.s32 s1, s30  }
0xcf: {  	s0 =	sor.u32 s4, s0;
	s1 =	sshll.u32 s1, $0x11  }
0xd0: {  	s0 =	sor.u32 s1, s0  }
0xd1: {  	s0 =	sadd.s32 $0x8F2B, s0  }
0xd2: {  	[sflag:s0] =	ssyncadd.remote.s32 $0x1  }
0xd3: {  	_ =	sfence.sel $0xFFFF  }
0xd4: {  	[dreg:$0x0] =	wrdreg $0xFFFFFFFF;
	(pc) =	sbr.abs _section_cstart, $3  }
0xd5: {  	[dreg:$0x1] =	wrdreg $0xFFFFFFFF  }
0xd6: {  	_ =	task.clear_ibuf [dreg:s22], $0x2FFFF;
	_ =	strace $0x9FFFFFFF  }
0xd7: {  	(tm) =	ssettm $0x7FFFFFFF  }
tec
execute0_lowered:
.L_overlay_start_1:
0x0: {  	(tag) =	ssettag $0x1  }
0x1: {  	s4 =	rddreg [dreg:$0x0]  }
0x2: {  	s5 =	rddreg [dreg:$0x1]  }
0x3: {  	s0 =	rddreg [dreg:$0x2]  }
0x4: {  	s3 =	srdreg.scid;
	s1 =	stileid.u32  }
0x5: {  	s2 =	simm.s32 $0x0;
	s16 =	simm.s32 $0x1;
	s10 =	smul.u32 $0x44000, s1  }
0x6: {  	s17 =	simm.s32 $0x80;
	s18 =	simm.s32 $0x2;
	s29 =	smul.u32 $0x22000, s1  }
0x7: {  	s19 =	simm.s32 $0x0;
	s7 =	sand.u32 $0x1, s3;
	s14 =	smul.u32 $0x880, s1  }
0x8: {  	s26 =	sshll.u32 s1, $0x1;
	[smem:$0x7FF] =	sst s2;
	s11 =	smul.u32 $0x22000, s7  }
0x9: {  	s3 =	sadd.s32 $0x188C00, s4;
	s6 =	sor.u32 s7, s26;
	s30 =	smul.u32 $0x440, s7  }
0xa: {  	s4 =	sadd.s32 $0x2200, s4;
	_ =	strace $0x8000004A;
	s8 =	smul.u32 $0x440, s6  }
0xb: {  	s12 =	ssub.s32 $0x2, s7;
	s9 =	smul.u32 $0x11000, s6;
	s6 =	sshll.u32 s6, $0xD  }
0xc: {  	s15 =	smul.u32 $0x11000, s7;
	s13 =	sshrl.u32 s12, $0x1;
	s6 =	sand.u32 $0xE000, s6  }
0xd: {  	s12 =	ssub.s32 s12, s13;
	s31 =	sadd.s32 s30, s14;
	s13 =	simm.s32 $0x40  }
0xe: {  	s14 =	simm.s32 $0x440;
	s8 =	sshrl.u32 s8, $0x3;
	s9 =	sand.u32 $0x3F0000, s9  }
0xf: {  	s7 =	smax.u32 s12, $0x1;
	s6 =	sor.u32 s6, s9;
	s28 =	sand.u32 $0x40, s8  }
0x10: {  	s12 =	simm.s32 $0x3;
	s5 =	sadd.s32 s5, s8;
	s6 =	sor.u32 s28, s6  }
0x11: {  	s8 =	sadd.s32 s11, s10;
	s9 =	sadd.s32 s15, s29;
	s6 =	sadd.s32 $0x10000, s6  }
0x12: {  	s10 =	sshrl.u32 s31, $0x3;
	s11 =	sadd.s32 $0x40, s31;
	s6 =	sshrl.u32 s6, $0x3  }
0x13: {  	s15 =	simm.s32 $0x1440;
	s11 =	sshrl.u32 s11, $0x3;
	s6 =	sadd.s32 s4, s6  }
.LBB2_1:
0x14: {  	[tilespmem:s2], [sflag:$0x3] =	stream.linear.gather [hbm4b:s5+s2], $0x440, $0x38;
	[tilespmem:$0x2440] =	vst v63  }
0x15: {  	_ =	swait.ge [sflag:s12], $0x440  }
0x16: {  	[sflag:s12] =	ssyncset.done $0x0  }
0x17: {  	s20 =	sand.u32 $0xE000, s8;
	s21 =	sand.u32 $0x7FFF0000, s9;
	[sflag:s12] =	ssyncadd.s32 $0xFFFFFBC0  }
0x18: {  	[tilespmem:s14], [sflag:$0x1] =	stream.indirect.gather [hbm4b:s3+s13], $0x40, s2, s13, $0xb8;
	[tilespmem:$0x2440] =	vst v63  }
0x19: {  	s22 =	simm.s32 $0x40;
	s26 =	sand.u32 $0x40, s10;
	s20 =	sor.u32 s20, s21  }
0x1a: {  	[tilespmem:s15], [sflag:$0x2] =	stream.indirect.gather [hbm4b:s3+s13], $0x40, s22, s13, $0xb8;
	[tilespmem:$0x2440] =	vst v63  }
0x1b: {  	s20 =	sor.u32 s26, s20;
	_ =	swait.ge [sflag:s16], $0x1000  }
0x1c: {  	s20 =	sshrl.u32 s20, $0x3;
	[sflag:s16] =	ssyncset.done $0x0  }
0x1d: {  	s28 =	sadd.s32 $0x1000, s9;
	s20 =	sadd.s32 s4, s20;
	[sflag:s16] =	ssyncadd.s32 $0xFFFFF000  }
0x1e: {  	[hbm4b:s20+s13] =	stream.strided.scatter [tilespmem:s14], [sflag:$0x3], $0x1000, s17, s13, $0x38;
	[tilespmem:$0x2440] =	vst v63  }
0x1f: {  	s29 =	sadd.s32 $0x2000, s8;
	s30 =	simm.s32 $0x80;
	_ =	swait.ge [sflag:s12], $0x1000  }
0x20: {  	s21 =	sand.u32 $0xE000, s29;
	s20 =	sand.u32 $0x7FFF0000, s28;
	[sflag:s12] =	ssyncset.done $0x0  }
0x21: {  	s31 =	sand.u32 $0x40, s11;
	s20 =	sor.u32 s21, s20;
	[sflag:s12] =	ssyncadd.s32 $0xFFFFF000  }
0x22: {  	[tilespmem:s14], [sflag:$0x1] =	stream.indirect.gather [hbm4b:s3+s13], $0x40, s30, s13, $0xb8;
	[tilespmem:$0x2440] =	vst v63  }
0x23: {  	s24 =	simm.s32 $0x200;
	s20 =	sor.u32 s31, s20;
	_ =	swait.ge [sflag:s18], $0x1000  }
0x24: {  	s25 =	simm.s32 $0x400;
	s20 =	sshrl.u32 s20, $0x3;
	[sflag:s18] =	ssyncset.done $0x0  }
0x25: {  	s23 =	sadd.s32 $0x10, s10;
	s20 =	sadd.s32 s4, s20;
	[sflag:s18] =	ssyncadd.s32 $0xFFFFF000  }
0x26: {  	[hbm4b:s20+s13] =	stream.strided.scatter [tilespmem:s15], [sflag:$0x3], $0x1000, s17, s13, $0x38;
	[tilespmem:$0x2440] =	vst v63  }
0x27: {  	s22 =	sadd.s32 $0x2000, s9;
	s21 =	sadd.s32 $0x4000, s8;
	s20 =	sadd.s32 $0x10, s11  }
.LBB2_2:
0x28: {  	s26 =	sshra.s32 s24, $0x2  }
0x29: {  	s28 =	sand.u32 $0xE000, s21;
	_ =	swait.ge [sflag:s12], $0x1000;
	s24 =	smov.u32 s25  }
0x2a: {  	s30 =	sand.u32 $0x7FFF0000, s22;
	s29 =	sadd.s32 $0x40, s26;
	[sflag:s12] =	ssyncset.done $0x0  }
0x2b: {  	s28 =	sor.u32 s28, s30;
	s30 =	sand.u32 $0x40, s23;
	[sflag:s12] =	ssyncadd.s32 $0xFFFFF000  }
0x2c: {  	[tilespmem:s15], [sflag:$0x2] =	stream.indirect.gather [hbm4b:s3+s13], $0x40, s29, s13, $0xb8;
	[tilespmem:$0x2440] =	vst v63  }
0x2d: {  	s28 =	sor.u32 s30, s28;
	s29 =	sadd.s32 $0x200, s25;
	_ =	swait.ge [sflag:s16], $0x1000  }
0x2e: {  	p0 =	sne.s32 s25, $0xE00;
	s25 =	sshrl.u32 s28, $0x3;
	[sflag:s16] =	ssyncset.done $0x0  }
0x2f: {  	s25 =	sadd.s32 s4, s25;
	[sflag:s16] =	ssyncadd.s32 $0xFFFFF000  }
0x30: {  	[hbm4b:s25+s13] =	stream.strided.scatter [tilespmem:s14], [sflag:$0x3], $0x1000, s17, s13, $0x38;
	[tilespmem:$0x2440] =	vst v63  }
0x31: {  	s28 =	sadd.s32 $0x2000, s21;
	s25 =	sadd.s32 $0x1000, s22;
	_ =	swait.ge [sflag:s12], $0x1000  }
0x32: {  	s26 =	sadd.s32 $0x80, s26;
	s28 =	sand.u32 $0xE000, s28;
	[sflag:s12] =	ssyncset.done $0x0  }
0x33: {  	s30 =	sand.u32 $0x40, s20;
	s25 =	sand.u32 $0x7FFF0000, s25;
	[sflag:s12] =	ssyncadd.s32 $0xFFFFF000  }
0x34: {  	[tilespmem:s14], [sflag:$0x1] =	stream.indirect.gather [hbm4b:s3+s13], $0x40, s26, s13, $0xb8;
	[tilespmem:$0x2440] =	vst v63  }
0x35: {  	s20 =	sadd.s32 $0x10, s20;
	s25 =	sor.u32 s28, s25;
	_ =	swait.ge [sflag:s18], $0x1000  }
.Ltmp0:
0x36: {  	s25 =	sor.u32 s30, s25;
	[sflag:s18] =	ssyncset.done $0x0;
	(pc) =	sbr.rel @p0 .LBB2_2-.Ltmp0, $4  }
0x37: {  	s22 =	sadd.s32 $0x2000, s22;
	s25 =	sshrl.u32 s25, $0x3;
	[sflag:s18] =	ssyncadd.s32 $0xFFFFF000  }
0x38: {  	s23 =	sadd.s32 $0x10, s23;
	s21 =	sadd.s32 $0x4000, s21;
	s25 =	sadd.s32 s4, s25  }
0x39: {  	[hbm4b:s25+s13] =	stream.strided.scatter [tilespmem:s15], [sflag:$0x3], $0x1000, s17, s13, $0x38;
	[tilespmem:$0x2440] =	vst v63  }
0x3a: {  	s25 =	smov.u32 s29  }
0x3b: {  	s24 =	sshra.s32 s24, $0x2;
	s25 =	sand.u32 $0xE000, s21;
	_ =	swait.ge [sflag:s12], $0x1000  }
0x3c: {  	s28 =	sand.u32 $0x7FFF0000, s22;
	s23 =	sand.u32 $0x40, s23;
	[sflag:s12] =	ssyncset.done $0x0  }
0x3d: {  	s26 =	sadd.s32 $0x40, s24;
	s25 =	sor.u32 s25, s28;
	[sflag:s12] =	ssyncadd.s32 $0xFFFFF000  }
0x3e: {  	[tilespmem:s15], [sflag:$0x2] =	stream.indirect.gather [hbm4b:s3+s13], $0x40, s26, s13, $0xb8;
	[tilespmem:$0x2440] =	vst v63  }
0x3f: {  	s23 =	sor.u32 s23, s25;
	_ =	swait.ge [sflag:s16], $0x1000  }
0x40: {  	s23 =	sshrl.u32 s23, $0x3;
	[sflag:s16] =	ssyncset.done $0x0  }
0x41: {  	s29 =	sadd.s32 $0x1000, s22;
	s23 =	sadd.s32 s4, s23;
	[sflag:s16] =	ssyncadd.s32 $0xFFFFF000  }
0x42: {  	[hbm4b:s23+s13] =	stream.strided.scatter [tilespmem:s14], [sflag:$0x3], $0x1000, s17, s13, $0x38;
	[tilespmem:$0x2440] =	vst v63  }
0x43: {  	s30 =	sadd.s32 $0x2000, s21;
	s20 =	sand.u32 $0x40, s20;
	_ =	swait.ge [sflag:s12], $0x1000  }
0x44: {  	s21 =	sand.u32 $0xE000, s30;
	s22 =	sand.u32 $0x7FFF0000, s29;
	[sflag:s12] =	ssyncset.done $0x0  }
0x45: {  	s31 =	sadd.s32 $0x80, s24;
	s21 =	sor.u32 s21, s22;
	[sflag:s12] =	ssyncadd.s32 $0xFFFFF000  }
0x46: {  	[tilespmem:s14], [sflag:$0x1] =	stream.indirect.gather [hbm4b:s3+s13], $0x40, s31, s13, $0xb8;
	[tilespmem:$0x2440] =	vst v63  }
0x47: {  	s20 =	sor.u32 s20, s21;
	_ =	swait.ge [sflag:s18], $0x1000  }
0x48: {  	s20 =	sshrl.u32 s20, $0x3;
	[sflag:s18] =	ssyncset.done $0x0  }
0x49: {  	s20 =	sadd.s32 s4, s20;
	[sflag:s18] =	ssyncadd.s32 $0xFFFFF000  }
0x4a: {  	[hbm4b:s20+s13] =	stream.strided.scatter [tilespmem:s15], [sflag:$0x3], $0x1000, s17, s13, $0x38;
	[tilespmem:$0x2440] =	vst v63  }
0x4b: {  	_ =	swait.ge [sflag:s12], $0x1000  }
0x4c: {  	[sflag:s12] =	ssyncset.done $0x0  }
0x4d: {  	[sflag:s12] =	ssyncadd.s32 $0xFFFFF000  }
0x4e: {  	s19 =	sadd.s32 $0x1, s19;
	_ =	swait.ge [sflag:s16], $0x1000  }
0x4f: {  	p0 =	sne.s32 s19, s7;
	[sflag:s16] =	ssyncset.done $0x0  }
.Ltmp1:
0x50: {  	[sflag:s16] =	ssyncadd.s32 $0xFFFFF000;
	(pc) =	sbr.rel @p0 .LBB2_1-.Ltmp1, $4  }
0x51: {  	[hbm4b:s6+s13] =	stream.strided.scatter [tilespmem:s14], [sflag:$0x3], $0x1000, s17, s13, $0x38;
	[tilespmem:$0x2440] =	vst v63  }
0x52: {  	_ =	swait.ge [sflag:s12], $0x1000  }
0x53: {  	[sflag:s12] =	ssyncset.done $0x0  }
0x54: {  	[sflag:s12] =	ssyncadd.s32 $0xFFFFF000  }
0x55: {  	_ =	sfence.sel $0x180000  }
0x56: {  	[bflag:$0x0] =	sbarrier.arrive $0xFFFF  }
0x57: {  	p0 =	sne.s32 s1, $0x0;
	_ =	strace $0x9000004A  }
0x58: {  	s0 =	sadd.s32 @!p0 $0x100000, s0;
	[bflag:$0x2] =	sbarrier.arrive $0xFFFF  }
0x59: {  	[sflag:s0] =	ssyncadd.tile.s32 @!p0 $0x1;
	_ =	shalt  }
.Lfunc_end2:
_tile_overlayer_lowered:
.L_overlay_start_2:
0x5a: {  	(tag) =	ssettag $0x2  }
0x5b: {  	s0 =	rddreg [dreg:$0x0];
	s2 =	stileid.u32  }
0x5c: {  	s1 =	rddreg [dreg:$0x1];
	p0 =	sne.s32 s2, $0x0  }
0x5d: {  	s3 =	rddreg [dreg:$0x2];
	[bflag:$0x3] =	sbarrier.arrive $0xFFFF;
	s2 =	simm.s32 @!p0 $0x1C03  }
0x5e: {  	[timem:s3], [sflag:s2] =	dma.local @!p0 [hbm:s0], s1  }
0x5f: {  	s0 =	simm.s32 @!p0 $0x3  }
0x60: {  	_ =	swait.ge @!p0 [sflag:s0], s1  }
0x61: {  	s1 =	ssub.s32 @!p0 $0x0, s1;
	[sflag:s0] =	ssyncset.done @!p0 $0x0  }
0x62: {  	[sflag:s0] =	ssyncadd.s32 @!p0 s1  }
0x63: {  	[bflag:$0x3] =	sbarrier.arrive $0xFFFF  }
0x64: {  	_ =	shalt  }

</sc_bundles>
